<compile_context>
chip_gen: v7x
topology: tpu7x:2x2x1
jax: 0.10.2.dev20260603
libtpu: 0.0.44.dev20260713+nightly
codegen_flags: <defaults>
</compile_context>

<pallas_src>
import functools

import jax
import jax.numpy as jnp
from jax import lax
from jax.experimental import pallas as pl
from jax.experimental.pallas import tpu as pltpu
from jax.experimental.pallas import tpu_sc as plsc

_K1 = [21, 15, 9, 5]
_P1 = [10, 7, 4, 2]
_K2 = [9, 7, 5, 3]
_P2 = [4, 3, 2, 1]
_GROUPS = 4
_VOCAB = 8192
_D = 200
_DPAD = 256


def _gn_nhwc(y, g, b, groups, eps=1e-5):
    B, NA, C, T = y.shape
    yg = y.reshape(B, NA, groups, C // groups, T)
    mu = yg.mean(axis=(1, 3, 4), keepdims=True)
    var = yg.var(axis=(1, 3, 4), keepdims=True)
    yn = ((yg - mu) / jnp.sqrt(var + eps)).reshape(B, NA, C, T)
    return yn * g[None, None, :, None] + b[None, None, :, None]


def _merged_encoder(h, p):
    C = 8
    B, _, NA, T = h.shape
    K, P = _K1[0], _P1[0]
    w1 = jnp.zeros((4 * C, K), jnp.float32)
    for i in range(4):
        o = P - _P1[i]
        w1 = w1.at[i * C:(i + 1) * C, o:o + _K1[i]].set(p['c1w'][i][:, 0, 0, :])
    b1 = jnp.concatenate([p['c1b'][i] for i in range(4)])
    jj = lax.broadcasted_iota(jnp.int32, (K, T + 2 * P, T), 1)
    tt = lax.broadcasted_iota(jnp.int32, (K, T + 2 * P, T), 2)
    dd = lax.broadcasted_iota(jnp.int32, (K, T + 2 * P, T), 0)
    band = (jj - tt == dd).astype(jnp.float32)
    toep1 = jnp.einsum('od,djt->ojt', w1, band)
    xp = jnp.pad(h[:, 0], ((0, 0), (0, 0), (P, P)))
    y = jnp.einsum('bnj,ojt->bnot', xp, toep1) + b1[None, None, :, None]
    g1 = jnp.concatenate([p['g1w'][i] for i in range(4)])
    gb1 = jnp.concatenate([p['g1b'][i] for i in range(4)])
    y = jax.nn.gelu(_gn_nhwc(y, g1, gb1, 4 * _GROUPS), approximate=False)
    T2 = T // 2
    y = y.reshape(B, NA, 4 * C, T2, 2).mean(axis=-1)

    K2, P2 = _K2[0], _P2[0]
    w2 = jnp.zeros((4 * C, 4 * C, K2), jnp.float32)
    for i in range(4):
        o = P2 - _P2[i]
        w2 = w2.at[i * C:(i + 1) * C, i * C:(i + 1) * C, o:o + _K2[i]].set(
            p['c2w'][i][:, :, 0, :])
    b2 = jnp.concatenate([p['c2b'][i] for i in range(4)])
    yp = jnp.pad(y, ((0, 0), (0, 0), (0, 0), (P2, P2)))
    y2 = b2[None, None, :, None]
    for k in range(K2):
        y2 = y2 + jnp.einsum('bnct,oc->bnot', yp[..., k:k + T2], w2[:, :, k])
    g2 = jnp.concatenate([p['g2w'][i] for i in range(4)])
    gb2 = jnp.concatenate([p['g2b'][i] for i in range(4)])
    y2 = jax.nn.gelu(_gn_nhwc(y2, g2, gb2, 4 * _GROUPS), approximate=False)
    T4 = T2 // 4
    y2 = y2.reshape(B, NA, 4 * C, T4, 4).mean(axis=-1)

    z = jnp.transpose(y2.reshape(B, NA, 4, C, T4), (2, 0, 1, 4, 3))
    return z.reshape(4 * B * NA, T4 * C), (B, NA, T4 * C)



def _argmin_body(r_ref, cb_ref, rn_ref, cn_ref, out_ref):
    r = r_ref[...]
    cb = cb_ref[...]
    m = lax.dot_general(r, cb, (((1,), (1,)), ((), ())),
                        precision=lax.Precision.DEFAULT,
                        preferred_element_type=jnp.float32)
    d = (rn_ref[...] - 2.0 * m) + cn_ref[...]
    idx = jnp.argmin(d, axis=1).astype(jnp.int32)
    out_ref[...] = idx[:, None]


def _nearest_code(r, cb, rn, cn, tm=256):
    M, D = r.shape
    K = cb.shape[0]
    return pl.pallas_call(
        _argmin_body,
        grid=(M // tm,),
        in_specs=[
            pl.BlockSpec((tm, D), lambda t: (t, 0)),
            pl.BlockSpec((K, D), lambda t: (0, 0)),
            pl.BlockSpec((tm, 1), lambda t: (t, 0)),
            pl.BlockSpec((1, K), lambda t: (0, 0)),
        ],
        out_specs=pl.BlockSpec((tm, 1), lambda t: (t, 0)),
        out_shape=jax.ShapeDtypeStruct((M, 1), jnp.int32),
    )(r, cb, rn, cn)



def _pad_body(x_ref, out_ref):
    x = x_ref[...]
    out_ref[...] = jnp.pad(x, ((0, 0), (0, _DPAD - _D)))


def _pad_table(cbs_flat, rows_per_blk=1024):
    R = cbs_flat.shape[0]
    return pl.pallas_call(
        _pad_body,
        grid=(R // rows_per_blk,),
        in_specs=[pl.BlockSpec((rows_per_blk, _D), lambda t: (t, 0))],
        out_specs=pl.BlockSpec((rows_per_blk, _DPAD), lambda t: (t, 0)),
        out_shape=jax.ShapeDtypeStruct((R, _DPAD), jnp.float32),
    )(cbs_flat)



def _sc_gather(table, idx2d):
    V, Dp = table.shape
    B = idx2d.shape[0] * idx2d.shape[1]
    info = plsc.get_sparse_core_info()
    nw = info.num_cores * info.num_subcores
    b_per_w = B // nw
    chunks = b_per_w // 128
    mesh = plsc.VectorSubcoreMesh(core_axis_name="c", subcore_axis_name="s")

    @functools.partial(
        pl.kernel, mesh=mesh,
        out_type=jax.ShapeDtypeStruct((B, Dp), jnp.float32),
        scratch_types=[
            pltpu.VMEM((chunks, 128), jnp.int32),
            pltpu.VMEM((b_per_w, Dp), jnp.float32),
            pltpu.SemaphoreType.DMA,
        ],
    )
    def gk(table_hbm, idx_hbm, out_hbm, idx_v, rows_v, sem):
        wid = lax.axis_index("s") * info.num_cores + lax.axis_index("c")
        base = wid * b_per_w
        pltpu.sync_copy(idx_hbm.at[pl.ds(wid * chunks, chunks)], idx_v)
        cps = [pltpu.async_copy(table_hbm.at[idx_v.at[j]],
                                rows_v.at[pl.ds(j * 128, 128)], sem)
               for j in range(chunks)]
        for c in cps:
            c.wait()
        pltpu.sync_copy(rows_v, out_hbm.at[pl.ds(base, b_per_w)])

    return gk(table, idx2d)


def kernel(x, params):
    B, N, A, T = x.shape
    h = x.reshape(B, N * A, T)[:, None, :, :]
    zf, z_shape = _merged_encoder(h, params)

    cbs = params['codebooks']
    n_q = cbs.shape[0]
    table = _pad_table(cbs.reshape(n_q * _VOCAB, _D))

    M = zf.shape[0]
    halves = [zf[:M // 2], zf[M // 2:]]
    totals = [jnp.zeros_like(hh) for hh in halves]
    residuals = list(halves)
    for l in range(n_q):
        cb = cbs[l]
        cn = (cb ** 2).sum(-1)[None, :]
        idxs = []
        for hh in range(2):
            rn = (residuals[hh] ** 2).sum(-1, keepdims=True)
            idxs.append(_nearest_code(residuals[hh], cb, rn, cn))
        for hh in range(2):
            gidx = idxs[hh].reshape(-1, 128) + (l * _VOCAB)
            q = _sc_gather(table, gidx)[:, :_D]
            totals[hh] = totals[hh] + q
            residuals[hh] = residuals[hh] - q

    total = jnp.concatenate(totals, axis=0)
    q_st = zf + (total - zf)
    return q_st.reshape(4, z_shape[0], z_shape[1], z_shape[2])

# --- scband reference (transcript-rebuilt; emitter-appended) ---
"""Pipeline reference for scband-neuro-rvqtokenizer-4982162063517 (READ-ONLY COPY).

The authoritative reference and input builder live on the scoring server;
editing this copy changes nothing except your own understanding.
"""

import jax, jax.numpy as jnp
import numpy as np

K1 = [21, 15, 9, 5]
P1 = [10, 7, 4, 2]
K2 = [9, 7, 5, 3]
P2 = [4, 3, 2, 1]
OUT_CHANS = 8
GROUPS = 4
N_Q = 2
VOCAB = 8192


def _conv(x, w, b, pad):
    y = jax.lax.conv_general_dilated(x, w, window_strides=(1, 1), padding=((0, 0), (pad, pad)), dimension_numbers=('NCHW', 'OIHW', 'NCHW'))
    return y + b[None, :, None, None]


def _gn(x, g, b, groups=GROUPS, eps=1e-5):
    B, C, H, W = x.shape
    xg = x.reshape(B, groups, C // groups, H, W)
    mu = xg.mean(axis=(2, 3, 4), keepdims=True)
    var = xg.var(axis=(2, 3, 4), keepdims=True)
    xg = (xg - mu) / jnp.sqrt(var + eps)
    xn = xg.reshape(B, C, H, W)
    return xn * g[None, :, None, None] + b[None, :, None, None]


def _pool(x, k):
    B, C, H, W = x.shape
    return x.reshape(B, C, H, W // k, k).mean(axis=-1)


def _branch(x, i, p):
    h = _pool(jax.nn.gelu(_gn(_conv(x, p['c1w'][i], p['c1b'][i], P1[i]), p['g1w'][i], p['g1b'][i]), approximate=False), 2)
    h = _pool(jax.nn.gelu(_gn(_conv(h, p['c2w'][i], p['c2b'][i], P2[i]), p['g2w'][i], p['g2b'][i]), approximate=False), 4)
    B, C, NA, T = h.shape
    # rearrange 'B C NA T -> B NA (T C)'
    return jnp.transpose(h, (0, 2, 3, 1)).reshape(B, NA, T * C)


def _rvq(zf, cbs):
    # zf: [M, D]; cbs: [L, K, D] residual vector quantization
    residual = zf
    total = jnp.zeros_like(zf)
    for l in range(cbs.shape[0]):
        cb = cbs[l]
        d = (residual ** 2).sum(-1, keepdims=True) - 2.0 * (residual @ cb.T) + (cb ** 2).sum(-1)[None, :]
        idx = jnp.argmin(d, axis=-1)
        q = jnp.take(cb, idx, axis=0)
        total = total + q
        residual = residual - q
    return total


def _forward(x, params):
    B, N, A, T = x.shape
    h = x.reshape(B, N * A, T)[:, None, :, :]  # B, 1, NA, T
    outs = []
    for i in range(4):
        z = _branch(h, i, params)  # B, NA, D
        zf = z.reshape(-1, z.shape[-1])
        q = _rvq(zf, params['codebooks'])
        q_st = zf + jax.lax.stop_gradient(q - zf)  # straight-through
        outs.append(q_st.reshape(z.shape))
    return jnp.stack(outs, axis=0)  # [4, B, NA, D]


def setup_inputs(seed: int = 0):
    key = jax.random.key(seed)
    ks = jax.random.split(key, 32)
    x = jax.random.normal(ks[0], (8, 64, 4, 200), dtype=jnp.float32)
    c1w = [jax.random.normal(ks[1 + i], (OUT_CHANS, 1, 1, K1[i]), dtype=jnp.float32) * 0.05 for i in range(4)]
    c1b = [jnp.zeros((OUT_CHANS,), dtype=jnp.float32) for _ in range(4)]
    c2w = [jax.random.normal(ks[5 + i], (OUT_CHANS, OUT_CHANS, 1, K2[i]), dtype=jnp.float32) * 0.05 for i in range(4)]
    c2b = [jnp.zeros((OUT_CHANS,), dtype=jnp.float32) for _ in range(4)]
    g1w = [jnp.ones((OUT_CHANS,), dtype=jnp.float32) for _ in range(4)]
    g1b = [jnp.zeros((OUT_CHANS,), dtype=jnp.float32) for _ in range(4)]
    g2w = [jnp.ones((OUT_CHANS,), dtype=jnp.float32) for _ in range(4)]
    g2b = [jnp.zeros((OUT_CHANS,), dtype=jnp.float32) for _ in range(4)]
    codebooks = jax.random.normal(ks[20], (N_Q, VOCAB, 200), dtype=jnp.float32) * 0.5
    params = {'c1w': c1w, 'c1b': c1b, 'c2w': c2w, 'c2b': c2b, 'g1w': g1w, 'g1b': g1b, 'g2w': g2w, 'g2b': g2b, 'codebooks': codebooks}
    return {'x': x, 'params': params}


def reference(x, params):
    return _forward(x, params)

if __name__ == "__main__":
    import jax
    _d = setup_inputs()
    print(jax.jit(kernel)(*tuple(_d.values())))

</pallas_src>

<mosaic_0001>
#map = affine_map<(d0, d1) -> (0, 0)>
module attributes {stable_mosaic.version = 14 : i64} {
  func.func @gk(%arg0: i32, %arg1: i32, %arg2: memref<16384x256xf32, #tpu.memory_space<hbm>>, %arg3: memref<32x128xi32, #tpu.memory_space<hbm>>, %arg4: memref<4096x256xf32, #tpu.memory_space<hbm>>, %arg5: memref<1x128xi32, #tpu.memory_space<vmem>>, %arg6: memref<128x256xf32, #tpu.memory_space<vmem>>, %arg7: memref<!tpu.dma_semaphore, #tpu.memory_space<semaphore_mem>>) attributes {dimension_semantics = [#tpu.dimension_semantics<core_parallel>, #tpu.dimension_semantics<subcore_parallel>], iteration_bounds = array<i64: 2, 16>, scalar_prefetch = 0 : i64, scratch_operands = 3 : i64, tpu.core_type = #tpu.core_type<sc_vector_subcore>, window_params = [{transform_indices = #map}, {transform_indices = #map}, {transform_indices = #map}]} {
    %mul3A = arith.constant 2 : i32
    %mul3A_0 = arith.muli %arg1, %mul3A : i32
    %add3A = arith.addi %mul3A_0, %arg0 : i32
    %mul3A_1 = arith.constant 128 : i32
    %mul3A_2 = arith.muli %add3A, %mul3A_1 : i32
    %mul3A_3 = arith.constant 1 : i32
    %mul3A_4 = arith.muli %add3A, %mul3A_3 : i32
    "tpu.region"() ({
      %run_scoped3A = tpu.sem_alloc : memref<!tpu.dma_semaphore, #tpu.memory_space<semaphore_mem>>
      %dma_start3A_23 = arith.constant 0 : i32
      %dma_start3A_24 = tpu.memref_slice %arg3[%mul3A_4, %dma_start3A_23] : memref<32x128xi32, #tpu.memory_space<hbm>> -> memref<1x128xi32, #tpu.memory_space<hbm>>
      %dma_start3A_25 = arith.constant 0 : i32
      %dma_start3A_26 = tpu.memref_slice %arg3[%mul3A_4, %dma_start3A_25] : memref<32x128xi32, #tpu.memory_space<hbm>> -> memref<1x128xi32, #tpu.memory_space<hbm>>
      tpu.enqueue_dma source(%dma_start3A_26 : memref<1x128xi32, #tpu.memory_space<hbm>>) target(%arg5 : memref<1x128xi32, #tpu.memory_space<vmem>>) target_semaphore(%run_scoped3A : memref<!tpu.dma_semaphore, #tpu.memory_space<semaphore_mem>>)
      %dma_wait3A_27 = arith.constant 0 : i32
      %dma_wait3A_28 = tpu.memref_slice %arg3[%mul3A_4, %dma_wait3A_27] : memref<32x128xi32, #tpu.memory_space<hbm>> -> memref<1x128xi32, #tpu.memory_space<hbm>>
      %dma_wait3A_29 = arith.constant 0 : i32
      %dma_wait3A_30 = tpu.memref_slice %arg3[%mul3A_4, %dma_wait3A_29] : memref<32x128xi32, #tpu.memory_space<hbm>> -> memref<1x128xi32, #tpu.memory_space<hbm>>
      tpu.wait_dma2 semaphore(%run_scoped3A : memref<!tpu.dma_semaphore, #tpu.memory_space<semaphore_mem>>) src(%dma_wait3A_30 : memref<1x128xi32, #tpu.memory_space<hbm>>) dst(%arg5 : memref<1x128xi32, #tpu.memory_space<vmem>>)
      tpu.yield
    }) : () -> ()
    %dma_start3A = arith.constant 0 : i32
    %dma_start3A_5 = arith.constant 0 : i32
    %dma_start3A_6 = arith.constant 0 : i32
    %dma_start3A_7 = tpu.memref_slice %arg6[%dma_start3A_5, %dma_start3A_6] : memref<128x256xf32, #tpu.memory_space<vmem>> -> memref<128x256xf32, #tpu.memory_space<vmem>>
    %dma_start3A_8 = arith.constant 0 : i32
    %dma_start3A_9 = tpu.memref_slice %arg5[%dma_start3A, %dma_start3A_8] : memref<1x128xi32, #tpu.memory_space<vmem>> -> memref<1x128xi32, #tpu.memory_space<vmem>>
    %dma_start3A_10 = tpu.memref_squeeze %dma_start3A_9 : memref<1x128xi32, #tpu.memory_space<vmem>> -> memref<128xi32, #tpu.memory_space<vmem>>
    %dma_start3A_11 = arith.constant 0 : i32
    %dma_start3A_12 = arith.constant 0 : i32
    %dma_start3A_13 = tpu.memref_slice %arg2[%dma_start3A_11, %dma_start3A_12] : memref<16384x256xf32, #tpu.memory_space<hbm>> -> memref<16384x256xf32, #tpu.memory_space<hbm>>
    tpu.enqueue_indirect_dma source(%dma_start3A_13 : memref<16384x256xf32, #tpu.memory_space<hbm>>) target(%dma_start3A_7 : memref<128x256xf32, #tpu.memory_space<vmem>>) offsets(%dma_start3A_10 : memref<128xi32, #tpu.memory_space<vmem>>) semaphore(%arg7 : memref<!tpu.dma_semaphore, #tpu.memory_space<semaphore_mem>>)
    %dma_wait3A = arith.constant 0 : i32
    %dma_wait3A_14 = arith.constant 0 : i32
    %dma_wait3A_15 = arith.constant 0 : i32
    %dma_wait3A_16 = tpu.memref_slice %arg6[%dma_wait3A_14, %dma_wait3A_15] : memref<128x256xf32, #tpu.memory_space<vmem>> -> memref<128x256xf32, #tpu.memory_space<vmem>>
    %dma_wait3A_17 = arith.constant 0 : i32
    %dma_wait3A_18 = tpu.memref_slice %arg5[%dma_wait3A, %dma_wait3A_17] : memref<1x128xi32, #tpu.memory_space<vmem>> -> memref<1x128xi32, #tpu.memory_space<vmem>>
    %dma_wait3A_19 = tpu.memref_squeeze %dma_wait3A_18 : memref<1x128xi32, #tpu.memory_space<vmem>> -> memref<128xi32, #tpu.memory_space<vmem>>
    %dma_wait3A_20 = arith.constant 0 : i32
    %dma_wait3A_21 = arith.constant 0 : i32
    %dma_wait3A_22 = tpu.memref_slice %arg2[%dma_wait3A_20, %dma_wait3A_21] : memref<16384x256xf32, #tpu.memory_space<hbm>> -> memref<16384x256xf32, #tpu.memory_space<hbm>>
    tpu.wait_indirect_dma semaphore(%arg7 : memref<!tpu.dma_semaphore, #tpu.memory_space<semaphore_mem>>) src(%dma_wait3A_22 : memref<16384x256xf32, #tpu.memory_space<hbm>>) dst(%dma_wait3A_16 : memref<128x256xf32, #tpu.memory_space<vmem>>)
    "tpu.region"() ({
      %run_scoped3A = tpu.sem_alloc : memref<!tpu.dma_semaphore, #tpu.memory_space<semaphore_mem>>
      %dma_start3A_23 = arith.constant 0 : i32
      %dma_start3A_24 = tpu.memref_slice %arg4[%mul3A_2, %dma_start3A_23] : memref<4096x256xf32, #tpu.memory_space<hbm>> -> memref<128x256xf32, #tpu.memory_space<hbm>>
      %dma_start3A_25 = arith.constant 0 : i32
      %dma_start3A_26 = tpu.memref_slice %arg4[%mul3A_2, %dma_start3A_25] : memref<4096x256xf32, #tpu.memory_space<hbm>> -> memref<128x256xf32, #tpu.memory_space<hbm>>
      tpu.enqueue_dma source(%arg6 : memref<128x256xf32, #tpu.memory_space<vmem>>) target(%dma_start3A_26 : memref<128x256xf32, #tpu.memory_space<hbm>>) target_semaphore(%run_scoped3A : memref<!tpu.dma_semaphore, #tpu.memory_space<semaphore_mem>>)
      %dma_wait3A_27 = arith.constant 0 : i32
      %dma_wait3A_28 = tpu.memref_slice %arg4[%mul3A_2, %dma_wait3A_27] : memref<4096x256xf32, #tpu.memory_space<hbm>> -> memref<128x256xf32, #tpu.memory_space<hbm>>
      %dma_wait3A_29 = arith.constant 0 : i32
      %dma_wait3A_30 = tpu.memref_slice %arg4[%mul3A_2, %dma_wait3A_29] : memref<4096x256xf32, #tpu.memory_space<hbm>> -> memref<128x256xf32, #tpu.memory_space<hbm>>
      tpu.wait_dma2 semaphore(%run_scoped3A : memref<!tpu.dma_semaphore, #tpu.memory_space<semaphore_mem>>) src(%arg6 : memref<128x256xf32, #tpu.memory_space<vmem>>) dst(%dma_wait3A_30 : memref<128x256xf32, #tpu.memory_space<hbm>>)
      tpu.yield
    }) : () -> ()
    return
  }
}

#map = affine_map<(d0, d1) -> (0, 0)>
module attributes {stable_mosaic.version = 14 : i64} {
  func.func @gk(%arg0: i32, %arg1: i32, %arg2: memref<16384x256xf32, #tpu.memory_space<hbm>>, %arg3: memref<32x128xi32, #tpu.memory_space<hbm>>, %arg4: memref<4096x256xf32, #tpu.memory_space<hbm>>, %arg5: memref<1x128xi32, #tpu.memory_space<vmem>>, %arg6: memref<128x256xf32, #tpu.memory_space<vmem>>, %arg7: memref<!tpu.dma_semaphore, #tpu.memory_space<semaphore_mem>>) attributes {dimension_semantics = [#tpu.dimension_semantics<core_parallel>, #tpu.dimension_semantics<subcore_parallel>], iteration_bounds = array<i64: 2, 16>, scalar_prefetch = 0 : i64, scratch_operands = 3 : i64, tpu.core_type = #tpu.core_type<sc_vector_subcore>, window_params = [{transform_indices = #map}, {transform_indices = #map}, {transform_indices = #map}]} {
    %mul3A = arith.constant 2 : i32
    %mul3A_0 = arith.muli %arg1, %mul3A : i32
    %add3A = arith.addi %mul3A_0, %arg0 : i32
    %mul3A_1 = arith.constant 128 : i32
    %mul3A_2 = arith.muli %add3A, %mul3A_1 : i32
    %mul3A_3 = arith.constant 1 : i32
    %mul3A_4 = arith.muli %add3A, %mul3A_3 : i32
    "tpu.region"() ({
      %run_scoped3A = tpu.sem_alloc : memref<!tpu.dma_semaphore, #tpu.memory_space<semaphore_mem>>
      %dma_start3A_23 = arith.constant 0 : i32
      %dma_start3A_24 = tpu.memref_slice %arg3[%mul3A_4, %dma_start3A_23] : memref<32x128xi32, #tpu.memory_space<hbm>> -> memref<1x128xi32, #tpu.memory_space<hbm>>
      %dma_start3A_25 = arith.constant 0 : i32
      %dma_start3A_26 = tpu.memref_slice %arg3[%mul3A_4, %dma_start3A_25] : memref<32x128xi32, #tpu.memory_space<hbm>> -> memref<1x128xi32, #tpu.memory_space<hbm>>
      tpu.enqueue_dma source(%dma_start3A_26 : memref<1x128xi32, #tpu.memory_space<hbm>>) target(%arg5 : memref<1x128xi32, #tpu.memory_space<vmem>>) target_semaphore(%run_scoped3A : memref<!tpu.dma_semaphore, #tpu.memory_space<semaphore_mem>>)
      %dma_wait3A_27 = arith.constant 0 : i32
      %dma_wait3A_28 = tpu.memref_slice %arg3[%mul3A_4, %dma_wait3A_27] : memref<32x128xi32, #tpu.memory_space<hbm>> -> memref<1x128xi32, #tpu.memory_space<hbm>>
      %dma_wait3A_29 = arith.constant 0 : i32
      %dma_wait3A_30 = tpu.memref_slice %arg3[%mul3A_4, %dma_wait3A_29] : memref<32x128xi32, #tpu.memory_space<hbm>> -> memref<1x128xi32, #tpu.memory_space<hbm>>
      tpu.wait_dma2 semaphore(%run_scoped3A : memref<!tpu.dma_semaphore, #tpu.memory_space<semaphore_mem>>) src(%dma_wait3A_30 : memref<1x128xi32, #tpu.memory_space<hbm>>) dst(%arg5 : memref<1x128xi32, #tpu.memory_space<vmem>>)
      tpu.yield
    }) : () -> ()
    %dma_start3A = arith.constant 0 : i32
    %dma_start3A_5 = arith.constant 0 : i32
    %dma_start3A_6 = arith.constant 0 : i32
    %dma_start3A_7 = tpu.memref_slice %arg6[%dma_start3A_5, %dma_start3A_6] : memref<128x256xf32, #tpu.memory_space<vmem>> -> memref<128x256xf32, #tpu.memory_space<vmem>>
    %dma_start3A_8 = arith.constant 0 : i32
    %dma_start3A_9 = tpu.memref_slice %arg5[%dma_start3A, %dma_start3A_8] : memref<1x128xi32, #tpu.memory_space<vmem>> -> memref<1x128xi32, #tpu.memory_space<vmem>>
    %dma_start3A_10 = tpu.memref_squeeze %dma_start3A_9 : memref<1x128xi32, #tpu.memory_space<vmem>> -> memref<128xi32, #tpu.memory_space<vmem>>
    %dma_start3A_11 = arith.constant 0 : i32
    %dma_start3A_12 = arith.constant 0 : i32
    %dma_start3A_13 = tpu.memref_slice %arg2[%dma_start3A_11, %dma_start3A_12] : memref<16384x256xf32, #tpu.memory_space<hbm>> -> memref<16384x256xf32, #tpu.memory_space<hbm>>
    tpu.enqueue_indirect_dma source(%dma_start3A_13 : memref<16384x256xf32, #tpu.memory_space<hbm>>) target(%dma_start3A_7 : memref<128x256xf32, #tpu.memory_space<vmem>>) offsets(%dma_start3A_10 : memref<128xi32, #tpu.memory_space<vmem>>) semaphore(%arg7 : memref<!tpu.dma_semaphore, #tpu.memory_space<semaphore_mem>>)
    %dma_wait3A = arith.constant 0 : i32
    %dma_wait3A_14 = arith.constant 0 : i32
    %dma_wait3A_15 = arith.constant 0 : i32
    %dma_wait3A_16 = tpu.memref_slice %arg6[%dma_wait3A_14, %dma_wait3A_15] : memref<128x256xf32, #tpu.memory_space<vmem>> -> memref<128x256xf32, #tpu.memory_space<vmem>>
    %dma_wait3A_17 = arith.constant 0 : i32
    %dma_wait3A_18 = tpu.memref_slice %arg5[%dma_wait3A, %dma_wait3A_17] : memref<1x128xi32, #tpu.memory_space<vmem>> -> memref<1x128xi32, #tpu.memory_space<vmem>>
    %dma_wait3A_19 = tpu.memref_squeeze %dma_wait3A_18 : memref<1x128xi32, #tpu.memory_space<vmem>> -> memref<128xi32, #tpu.memory_space<vmem>>
    %dma_wait3A_20 = arith.constant 0 : i32
    %dma_wait3A_21 = arith.constant 0 : i32
    %dma_wait3A_22 = tpu.memref_slice %arg2[%dma_wait3A_20, %dma_wait3A_21] : memref<16384x256xf32, #tpu.memory_space<hbm>> -> memref<16384x256xf32, #tpu.memory_space<hbm>>
    tpu.wait_indirect_dma semaphore(%arg7 : memref<!tpu.dma_semaphore, #tpu.memory_space<semaphore_mem>>) src(%dma_wait3A_22 : memref<16384x256xf32, #tpu.memory_space<hbm>>) dst(%dma_wait3A_16 : memref<128x256xf32, #tpu.memory_space<vmem>>)
    "tpu.region"() ({
      %run_scoped3A = tpu.sem_alloc : memref<!tpu.dma_semaphore, #tpu.memory_space<semaphore_mem>>
      %dma_start3A_23 = arith.constant 0 : i32
      %dma_start3A_24 = tpu.memref_slice %arg4[%mul3A_2, %dma_start3A_23] : memref<4096x256xf32, #tpu.memory_space<hbm>> -> memref<128x256xf32, #tpu.memory_space<hbm>>
      %dma_start3A_25 = arith.constant 0 : i32
      %dma_start3A_26 = tpu.memref_slice %arg4[%mul3A_2, %dma_start3A_25] : memref<4096x256xf32, #tpu.memory_space<hbm>> -> memref<128x256xf32, #tpu.memory_space<hbm>>
      tpu.enqueue_dma source(%arg6 : memref<128x256xf32, #tpu.memory_space<vmem>>) target(%dma_start3A_26 : memref<128x256xf32, #tpu.memory_space<hbm>>) target_semaphore(%run_scoped3A : memref<!tpu.dma_semaphore, #tpu.memory_space<semaphore_mem>>)
      %dma_wait3A_27 = arith.constant 0 : i32
      %dma_wait3A_28 = tpu.memref_slice %arg4[%mul3A_2, %dma_wait3A_27] : memref<4096x256xf32, #tpu.memory_space<hbm>> -> memref<128x256xf32, #tpu.memory_space<hbm>>
      %dma_wait3A_29 = arith.constant 0 : i32
      %dma_wait3A_30 = tpu.memref_slice %arg4[%mul3A_2, %dma_wait3A_29] : memref<4096x256xf32, #tpu.memory_space<hbm>> -> memref<128x256xf32, #tpu.memory_space<hbm>>
      tpu.wait_dma2 semaphore(%run_scoped3A : memref<!tpu.dma_semaphore, #tpu.memory_space<semaphore_mem>>) src(%arg6 : memref<128x256xf32, #tpu.memory_space<vmem>>) dst(%dma_wait3A_30 : memref<128x256xf32, #tpu.memory_space<hbm>>)
      tpu.yield
    }) : () -> ()
    return
  }
}

#map = affine_map<(d0, d1) -> (0, 0)>
module attributes {stable_mosaic.version = 14 : i64} {
  func.func @gk(%arg0: i32, %arg1: i32, %arg2: memref<16384x256xf32, #tpu.memory_space<hbm>>, %arg3: memref<32x128xi32, #tpu.memory_space<hbm>>, %arg4: memref<4096x256xf32, #tpu.memory_space<hbm>>, %arg5: memref<1x128xi32, #tpu.memory_space<vmem>>, %arg6: memref<128x256xf32, #tpu.memory_space<vmem>>, %arg7: memref<!tpu.dma_semaphore, #tpu.memory_space<semaphore_mem>>) attributes {dimension_semantics = [#tpu.dimension_semantics<core_parallel>, #tpu.dimension_semantics<subcore_parallel>], iteration_bounds = array<i64: 2, 16>, scalar_prefetch = 0 : i64, scratch_operands = 3 : i64, tpu.core_type = #tpu.core_type<sc_vector_subcore>, window_params = [{transform_indices = #map}, {transform_indices = #map}, {transform_indices = #map}]} {
    %mul3A = arith.constant 2 : i32
    %mul3A_0 = arith.muli %arg1, %mul3A : i32
    %add3A = arith.addi %mul3A_0, %arg0 : i32
    %mul3A_1 = arith.constant 128 : i32
    %mul3A_2 = arith.muli %add3A, %mul3A_1 : i32
    %mul3A_3 = arith.constant 1 : i32
    %mul3A_4 = arith.muli %add3A, %mul3A_3 : i32
    "tpu.region"() ({
      %run_scoped3A = tpu.sem_alloc : memref<!tpu.dma_semaphore, #tpu.memory_space<semaphore_mem>>
      %dma_start3A_23 = arith.constant 0 : i32
      %dma_start3A_24 = tpu.memref_slice %arg3[%mul3A_4, %dma_start3A_23] : memref<32x128xi32, #tpu.memory_space<hbm>> -> memref<1x128xi32, #tpu.memory_space<hbm>>
      %dma_start3A_25 = arith.constant 0 : i32
      %dma_start3A_26 = tpu.memref_slice %arg3[%mul3A_4, %dma_start3A_25] : memref<32x128xi32, #tpu.memory_space<hbm>> -> memref<1x128xi32, #tpu.memory_space<hbm>>
      tpu.enqueue_dma source(%dma_start3A_26 : memref<1x128xi32, #tpu.memory_space<hbm>>) target(%arg5 : memref<1x128xi32, #tpu.memory_space<vmem>>) target_semaphore(%run_scoped3A : memref<!tpu.dma_semaphore, #tpu.memory_space<semaphore_mem>>)
      %dma_wait3A_27 = arith.constant 0 : i32
      %dma_wait3A_28 = tpu.memref_slice %arg3[%mul3A_4, %dma_wait3A_27] : memref<32x128xi32, #tpu.memory_space<hbm>> -> memref<1x128xi32, #tpu.memory_space<hbm>>
      %dma_wait3A_29 = arith.constant 0 : i32
      %dma_wait3A_30 = tpu.memref_slice %arg3[%mul3A_4, %dma_wait3A_29] : memref<32x128xi32, #tpu.memory_space<hbm>> -> memref<1x128xi32, #tpu.memory_space<hbm>>
      tpu.wait_dma2 semaphore(%run_scoped3A : memref<!tpu.dma_semaphore, #tpu.memory_space<semaphore_mem>>) src(%dma_wait3A_30 : memref<1x128xi32, #tpu.memory_space<hbm>>) dst(%arg5 : memref<1x128xi32, #tpu.memory_space<vmem>>)
      tpu.yield
    }) : () -> ()
    %dma_start3A = arith.constant 0 : i32
    %dma_start3A_5 = arith.constant 0 : i32
    %dma_start3A_6 = arith.constant 0 : i32
    %dma_start3A_7 = tpu.memref_slice %arg6[%dma_start3A_5, %dma_start3A_6] : memref<128x256xf32, #tpu.memory_space<vmem>> -> memref<128x256xf32, #tpu.memory_space<vmem>>
    %dma_start3A_8 = arith.constant 0 : i32
    %dma_start3A_9 = tpu.memref_slice %arg5[%dma_start3A, %dma_start3A_8] : memref<1x128xi32, #tpu.memory_space<vmem>> -> memref<1x128xi32, #tpu.memory_space<vmem>>
    %dma_start3A_10 = tpu.memref_squeeze %dma_start3A_9 : memref<1x128xi32, #tpu.memory_space<vmem>> -> memref<128xi32, #tpu.memory_space<vmem>>
    %dma_start3A_11 = arith.constant 0 : i32
    %dma_start3A_12 = arith.constant 0 : i32
    %dma_start3A_13 = tpu.memref_slice %arg2[%dma_start3A_11, %dma_start3A_12] : memref<16384x256xf32, #tpu.memory_space<hbm>> -> memref<16384x256xf32, #tpu.memory_space<hbm>>
    tpu.enqueue_indirect_dma source(%dma_start3A_13 : memref<16384x256xf32, #tpu.memory_space<hbm>>) target(%dma_start3A_7 : memref<128x256xf32, #tpu.memory_space<vmem>>) offsets(%dma_start3A_10 : memref<128xi32, #tpu.memory_space<vmem>>) semaphore(%arg7 : memref<!tpu.dma_semaphore, #tpu.memory_space<semaphore_mem>>)
    %dma_wait3A = arith.constant 0 : i32
    %dma_wait3A_14 = arith.constant 0 : i32
    %dma_wait3A_15 = arith.constant 0 : i32
    %dma_wait3A_16 = tpu.memref_slice %arg6[%dma_wait3A_14, %dma_wait3A_15] : memref<128x256xf32, #tpu.memory_space<vmem>> -> memref<128x256xf32, #tpu.memory_space<vmem>>
    %dma_wait3A_17 = arith.constant 0 : i32
    %dma_wait3A_18 = tpu.memref_slice %arg5[%dma_wait3A, %dma_wait3A_17] : memref<1x128xi32, #tpu.memory_space<vmem>> -> memref<1x128xi32, #tpu.memory_space<vmem>>
    %dma_wait3A_19 = tpu.memref_squeeze %dma_wait3A_18 : memref<1x128xi32, #tpu.memory_space<vmem>> -> memref<128xi32, #tpu.memory_space<vmem>>
    %dma_wait3A_20 = arith.constant 0 : i32
    %dma_wait3A_21 = arith.constant 0 : i32
    %dma_wait3A_22 = tpu.memref_slice %arg2[%dma_wait3A_20, %dma_wait3A_21] : memref<16384x256xf32, #tpu.memory_space<hbm>> -> memref<16384x256xf32, #tpu.memory_space<hbm>>
    tpu.wait_indirect_dma semaphore(%arg7 : memref<!tpu.dma_semaphore, #tpu.memory_space<semaphore_mem>>) src(%dma_wait3A_22 : memref<16384x256xf32, #tpu.memory_space<hbm>>) dst(%dma_wait3A_16 : memref<128x256xf32, #tpu.memory_space<vmem>>)
    "tpu.region"() ({
      %run_scoped3A = tpu.sem_alloc : memref<!tpu.dma_semaphore, #tpu.memory_space<semaphore_mem>>
      %dma_start3A_23 = arith.constant 0 : i32
      %dma_start3A_24 = tpu.memref_slice %arg4[%mul3A_2, %dma_start3A_23] : memref<4096x256xf32, #tpu.memory_space<hbm>> -> memref<128x256xf32, #tpu.memory_space<hbm>>
      %dma_start3A_25 = arith.constant 0 : i32
      %dma_start3A_26 = tpu.memref_slice %arg4[%mul3A_2, %dma_start3A_25] : memref<4096x256xf32, #tpu.memory_space<hbm>> -> memref<128x256xf32, #tpu.memory_space<hbm>>
      tpu.enqueue_dma source(%arg6 : memref<128x256xf32, #tpu.memory_space<vmem>>) target(%dma_start3A_26 : memref<128x256xf32, #tpu.memory_space<hbm>>) target_semaphore(%run_scoped3A : memref<!tpu.dma_semaphore, #tpu.memory_space<semaphore_mem>>)
      %dma_wait3A_27 = arith.constant 0 : i32
      %dma_wait3A_28 = tpu.memref_slice %arg4[%mul3A_2, %dma_wait3A_27] : memref<4096x256xf32, #tpu.memory_space<hbm>> -> memref<128x256xf32, #tpu.memory_space<hbm>>
      %dma_wait3A_29 = arith.constant 0 : i32
      %dma_wait3A_30 = tpu.memref_slice %arg4[%mul3A_2, %dma_wait3A_29] : memref<4096x256xf32, #tpu.memory_space<hbm>> -> memref<128x256xf32, #tpu.memory_space<hbm>>
      tpu.wait_dma2 semaphore(%run_scoped3A : memref<!tpu.dma_semaphore, #tpu.memory_space<semaphore_mem>>) src(%arg6 : memref<128x256xf32, #tpu.memory_space<vmem>>) dst(%dma_wait3A_30 : memref<128x256xf32, #tpu.memory_space<hbm>>)
      tpu.yield
    }) : () -> ()
    return
  }
}

#map = affine_map<(d0, d1) -> (0, 0)>
module attributes {stable_mosaic.version = 14 : i64} {
  func.func @gk(%arg0: i32, %arg1: i32, %arg2: memref<16384x256xf32, #tpu.memory_space<hbm>>, %arg3: memref<32x128xi32, #tpu.memory_space<hbm>>, %arg4: memref<4096x256xf32, #tpu.memory_space<hbm>>, %arg5: memref<1x128xi32, #tpu.memory_space<vmem>>, %arg6: memref<128x256xf32, #tpu.memory_space<vmem>>, %arg7: memref<!tpu.dma_semaphore, #tpu.memory_space<semaphore_mem>>) attributes {dimension_semantics = [#tpu.dimension_semantics<core_parallel>, #tpu.dimension_semantics<subcore_parallel>], iteration_bounds = array<i64: 2, 16>, scalar_prefetch = 0 : i64, scratch_operands = 3 : i64, tpu.core_type = #tpu.core_type<sc_vector_subcore>, window_params = [{transform_indices = #map}, {transform_indices = #map}, {transform_indices = #map}]} {
    %mul3A = arith.constant 2 : i32
    %mul3A_0 = arith.muli %arg1, %mul3A : i32
    %add3A = arith.addi %mul3A_0, %arg0 : i32
    %mul3A_1 = arith.constant 128 : i32
    %mul3A_2 = arith.muli %add3A, %mul3A_1 : i32
    %mul3A_3 = arith.constant 1 : i32
    %mul3A_4 = arith.muli %add3A, %mul3A_3 : i32
    "tpu.region"() ({
      %run_scoped3A = tpu.sem_alloc : memref<!tpu.dma_semaphore, #tpu.memory_space<semaphore_mem>>
      %dma_start3A_23 = arith.constant 0 : i32
      %dma_start3A_24 = tpu.memref_slice %arg3[%mul3A_4, %dma_start3A_23] : memref<32x128xi32, #tpu.memory_space<hbm>> -> memref<1x128xi32, #tpu.memory_space<hbm>>
      %dma_start3A_25 = arith.constant 0 : i32
      %dma_start3A_26 = tpu.memref_slice %arg3[%mul3A_4, %dma_start3A_25] : memref<32x128xi32, #tpu.memory_space<hbm>> -> memref<1x128xi32, #tpu.memory_space<hbm>>
      tpu.enqueue_dma source(%dma_start3A_26 : memref<1x128xi32, #tpu.memory_space<hbm>>) target(%arg5 : memref<1x128xi32, #tpu.memory_space<vmem>>) target_semaphore(%run_scoped3A : memref<!tpu.dma_semaphore, #tpu.memory_space<semaphore_mem>>)
      %dma_wait3A_27 = arith.constant 0 : i32
      %dma_wait3A_28 = tpu.memref_slice %arg3[%mul3A_4, %dma_wait3A_27] : memref<32x128xi32, #tpu.memory_space<hbm>> -> memref<1x128xi32, #tpu.memory_space<hbm>>
      %dma_wait3A_29 = arith.constant 0 : i32
      %dma_wait3A_30 = tpu.memref_slice %arg3[%mul3A_4, %dma_wait3A_29] : memref<32x128xi32, #tpu.memory_space<hbm>> -> memref<1x128xi32, #tpu.memory_space<hbm>>
      tpu.wait_dma2 semaphore(%run_scoped3A : memref<!tpu.dma_semaphore, #tpu.memory_space<semaphore_mem>>) src(%dma_wait3A_30 : memref<1x128xi32, #tpu.memory_space<hbm>>) dst(%arg5 : memref<1x128xi32, #tpu.memory_space<vmem>>)
      tpu.yield
    }) : () -> ()
    %dma_start3A = arith.constant 0 : i32
    %dma_start3A_5 = arith.constant 0 : i32
    %dma_start3A_6 = arith.constant 0 : i32
    %dma_start3A_7 = tpu.memref_slice %arg6[%dma_start3A_5, %dma_start3A_6] : memref<128x256xf32, #tpu.memory_space<vmem>> -> memref<128x256xf32, #tpu.memory_space<vmem>>
    %dma_start3A_8 = arith.constant 0 : i32
    %dma_start3A_9 = tpu.memref_slice %arg5[%dma_start3A, %dma_start3A_8] : memref<1x128xi32, #tpu.memory_space<vmem>> -> memref<1x128xi32, #tpu.memory_space<vmem>>
    %dma_start3A_10 = tpu.memref_squeeze %dma_start3A_9 : memref<1x128xi32, #tpu.memory_space<vmem>> -> memref<128xi32, #tpu.memory_space<vmem>>
    %dma_start3A_11 = arith.constant 0 : i32
    %dma_start3A_12 = arith.constant 0 : i32
    %dma_start3A_13 = tpu.memref_slice %arg2[%dma_start3A_11, %dma_start3A_12] : memref<16384x256xf32, #tpu.memory_space<hbm>> -> memref<16384x256xf32, #tpu.memory_space<hbm>>
    tpu.enqueue_indirect_dma source(%dma_start3A_13 : memref<16384x256xf32, #tpu.memory_space<hbm>>) target(%dma_start3A_7 : memref<128x256xf32, #tpu.memory_space<vmem>>) offsets(%dma_start3A_10 : memref<128xi32, #tpu.memory_space<vmem>>) semaphore(%arg7 : memref<!tpu.dma_semaphore, #tpu.memory_space<semaphore_mem>>)
    %dma_wait3A = arith.constant 0 : i32
    %dma_wait3A_14 = arith.constant 0 : i32
    %dma_wait3A_15 = arith.constant 0 : i32
    %dma_wait3A_16 = tpu.memref_slice %arg6[%dma_wait3A_14, %dma_wait3A_15] : memref<128x256xf32, #tpu.memory_space<vmem>> -> memref<128x256xf32, #tpu.memory_space<vmem>>
    %dma_wait3A_17 = arith.constant 0 : i32
    %dma_wait3A_18 = tpu.memref_slice %arg5[%dma_wait3A, %dma_wait3A_17] : memref<1x128xi32, #tpu.memory_space<vmem>> -> memref<1x128xi32, #tpu.memory_space<vmem>>
    %dma_wait3A_19 = tpu.memref_squeeze %dma_wait3A_18 : memref<1x128xi32, #tpu.memory_space<vmem>> -> memref<128xi32, #tpu.memory_space<vmem>>
    %dma_wait3A_20 = arith.constant 0 : i32
    %dma_wait3A_21 = arith.constant 0 : i32
    %dma_wait3A_22 = tpu.memref_slice %arg2[%dma_wait3A_20, %dma_wait3A_21] : memref<16384x256xf32, #tpu.memory_space<hbm>> -> memref<16384x256xf32, #tpu.memory_space<hbm>>
    tpu.wait_indirect_dma semaphore(%arg7 : memref<!tpu.dma_semaphore, #tpu.memory_space<semaphore_mem>>) src(%dma_wait3A_22 : memref<16384x256xf32, #tpu.memory_space<hbm>>) dst(%dma_wait3A_16 : memref<128x256xf32, #tpu.memory_space<vmem>>)
    "tpu.region"() ({
      %run_scoped3A = tpu.sem_alloc : memref<!tpu.dma_semaphore, #tpu.memory_space<semaphore_mem>>
      %dma_start3A_23 = arith.constant 0 : i32
      %dma_start3A_24 = tpu.memref_slice %arg4[%mul3A_2, %dma_start3A_23] : memref<4096x256xf32, #tpu.memory_space<hbm>> -> memref<128x256xf32, #tpu.memory_space<hbm>>
      %dma_start3A_25 = arith.constant 0 : i32
      %dma_start3A_26 = tpu.memref_slice %arg4[%mul3A_2, %dma_start3A_25] : memref<4096x256xf32, #tpu.memory_space<hbm>> -> memref<128x256xf32, #tpu.memory_space<hbm>>
      tpu.enqueue_dma source(%arg6 : memref<128x256xf32, #tpu.memory_space<vmem>>) target(%dma_start3A_26 : memref<128x256xf32, #tpu.memory_space<hbm>>) target_semaphore(%run_scoped3A : memref<!tpu.dma_semaphore, #tpu.memory_space<semaphore_mem>>)
      %dma_wait3A_27 = arith.constant 0 : i32
      %dma_wait3A_28 = tpu.memref_slice %arg4[%mul3A_2, %dma_wait3A_27] : memref<4096x256xf32, #tpu.memory_space<hbm>> -> memref<128x256xf32, #tpu.memory_space<hbm>>
      %dma_wait3A_29 = arith.constant 0 : i32
      %dma_wait3A_30 = tpu.memref_slice %arg4[%mul3A_2, %dma_wait3A_29] : memref<4096x256xf32, #tpu.memory_space<hbm>> -> memref<128x256xf32, #tpu.memory_space<hbm>>
      tpu.wait_dma2 semaphore(%run_scoped3A : memref<!tpu.dma_semaphore, #tpu.memory_space<semaphore_mem>>) src(%arg6 : memref<128x256xf32, #tpu.memory_space<vmem>>) dst(%dma_wait3A_30 : memref<128x256xf32, #tpu.memory_space<hbm>>)
      tpu.yield
    }) : () -> ()
    return
  }
}

module attributes {stable_mosaic.version = 14 : i64} {
  func.func @_pad_body(%arg0: i32, %arg1: memref<1024x200xf32, #tpu.memory_space<vmem>>, %arg2: memref<1024x256xf32, #tpu.memory_space<vmem>>) attributes {dimension_semantics = [#tpu.dimension_semantics<arbitrary>], iteration_bounds = array<i64: 16>, scalar_prefetch = 0 : i64, scratch_operands = 0 : i64, tpu.core_type = #tpu.core_type<tc>, window_params = [{transform_indices = @transform_0, window_bounds = array<i64: 1024, 200>}, {transform_indices = @transform_1, window_bounds = array<i64: 1024, 256>}]} {
    %get3A = arith.constant 0 : index
    %get3A_0 = arith.constant 0 : index
    %get3A_1 = vector.load %arg1[%get3A, %get3A_0] : memref<1024x200xf32, #tpu.memory_space<vmem>>, vector<1024x200xf32>
    %jit3A = arith.constant 0 : i32
    %convert_element_type3A = arith.sitofp %jit3A : i32 to f32
    %pad3A = vector.broadcast %convert_element_type3A : f32 to vector<1024x56xf32>
    %pad3A_2 = tpu.concatenate %get3A_1, %pad3A in 1 : vector<1024x200xf32>, vector<1024x56xf32> -> vector<1024x256xf32>
    %swap3A = arith.constant 0 : index
    %swap3A_3 = arith.constant 0 : index
    %swap3A_4 = vector.load %arg2[%swap3A, %swap3A_3] : memref<1024x256xf32, #tpu.memory_space<vmem>>, vector<1024x256xf32>
    tpu.vector_store %arg2[%swap3A, %swap3A_3], %pad3A_2 {strides = array<i32>} : memref<1024x256xf32, #tpu.memory_space<vmem>>, vector<1024x256xf32>,
    return
  }
  func.func @transform_0(%arg0: i32) -> (i32, i32) {
    %c0_i32 = arith.constant 0 : i32
    %c0_i32_0 = arith.constant 0 : i32
    return %arg0, %c0_i32 : i32, i32
  }
  func.func @transform_1(%arg0: i32) -> (i32, i32) {
    %c0_i32 = arith.constant 0 : i32
    %c0_i32_0 = arith.constant 0 : i32
    return %arg0, %c0_i32 : i32, i32
  }
}

module attributes {stable_mosaic.version = 14 : i64} {
  func.func @_argmin_body(%arg0: i32, %arg1: memref<256x200xf32, #tpu.memory_space<vmem>>, %arg2: memref<8192x200xf32, #tpu.memory_space<vmem>>, %arg3: memref<256x1xf32, #tpu.memory_space<vmem>>, %arg4: memref<1x8192xf32, #tpu.memory_space<vmem>>, %arg5: memref<256x1xi32, #tpu.memory_space<vmem>>) attributes {dimension_semantics = [#tpu.dimension_semantics<arbitrary>], iteration_bounds = array<i64: 16>, scalar_prefetch = 0 : i64, scratch_operands = 0 : i64, tpu.core_type = #tpu.core_type<tc>, window_params = [{transform_indices = @transform_0, window_bounds = array<i64: 256, 200>}, {pipeline_mode = #tpu.pipeline_mode<synchronous>, transform_indices = @transform_1, window_bounds = array<i64: 8192, 200>}, {transform_indices = @transform_2, window_bounds = array<i64: 256, 1>}, {pipeline_mode = #tpu.pipeline_mode<synchronous>, transform_indices = @transform_3, window_bounds = array<i64: 1, 8192>}, {transform_indices = @transform_4, window_bounds = array<i64: 256, 1>}]} {
    %get3A = arith.constant 0 : index
    %get3A_0 = arith.constant 0 : index
    %get3A_1 = vector.load %arg1[%get3A, %get3A_0] : memref<256x200xf32, #tpu.memory_space<vmem>>, vector<256x200xf32>
    %get3A_2 = arith.constant 0 : index
    %get3A_3 = arith.constant 0 : index
    %get3A_4 = vector.load %arg2[%get3A_2, %get3A_3] : memref<8192x200xf32, #tpu.memory_space<vmem>>, vector<8192x200xf32>
    %dot_general3A = arith.constant dense<0.000000e+00> : vector<256x8192xf32>
    %dot_general3A_5 = tpu.matmul %get3A_1, %get3A_4, %dot_general3A {dimension_numbers = #tpu.dot_dimension_numbers<[1], [1], [0], [0], [0, 0, 1, 0], [], []>, transpose_lhs_hint = false} : vector<256x200xf32>, vector<8192x200xf32>, vector<256x8192xf32> -> vector<256x8192xf32>
    %get3A_6 = arith.constant 0 : index
    %get3A_7 = arith.constant 0 : index
    %get3A_8 = vector.load %arg3[%get3A_6, %get3A_7] : memref<256x1xf32, #tpu.memory_space<vmem>>, vector<256x1xf32>
    %mul3A = arith.constant 2.000000e+00 : f32
    %mul3A_9 = vector.broadcast %mul3A : f32 to vector<256x8192xf32>
    %mul3A_10 = arith.mulf %mul3A_9, %dot_general3A_5 : vector<256x8192xf32>
    %sub3A = vector.broadcast %get3A_8 : vector<256x1xf32> to vector<256x8192xf32>
    %sub3A_11 = arith.subf %sub3A, %mul3A_10 : vector<256x8192xf32>
    %get3A_12 = arith.constant 0 : index
    %get3A_13 = arith.constant 0 : index
    %get3A_14 = vector.load %arg4[%get3A_12, %get3A_13] : memref<1x8192xf32, #tpu.memory_space<vmem>>, vector<1x8192xf32>
    %add3A = vector.broadcast %get3A_14 : vector<1x8192xf32> to vector<256x8192xf32>
    %add3A_15 = arith.addf %sub3A_11, %add3A : vector<256x8192xf32>
    %argmin3A = tpu.reduce_index %add3A_15 {axis = 1 : i32, kind = #tpu.reduction_kind<arg_min>} : vector<256x8192xf32> -> vector<256xi32>
    %broadcast_in_dim3A = vector.shape_cast %argmin3A : vector<256xi32> to vector<256x1xi32>
    %swap3A = arith.constant 0 : index
    %swap3A_16 = arith.constant 0 : index
    %swap3A_17 = vector.load %arg5[%swap3A, %swap3A_16] : memref<256x1xi32, #tpu.memory_space<vmem>>, vector<256x1xi32>
    tpu.vector_store %arg5[%swap3A, %swap3A_16], %broadcast_in_dim3A {strides = array<i32>} : memref<256x1xi32, #tpu.memory_space<vmem>>, vector<256x1xi32>,
    return
  }
  func.func @transform_0(%arg0: i32) -> (i32, i32) {
    %c0_i32 = arith.constant 0 : i32
    %c0_i32_0 = arith.constant 0 : i32
    return %arg0, %c0_i32 : i32, i32
  }
  func.func @transform_1(%arg0: i32) -> (i32, i32) {
    %c0_i32 = arith.constant 0 : i32
    %c0_i32_0 = arith.constant 0 : i32
    %c0_i32_1 = arith.constant 0 : i32
    return %c0_i32, %c0_i32_0 : i32, i32
  }
  func.func @transform_2(%arg0: i32) -> (i32, i32) {
    %c0_i32 = arith.constant 0 : i32
    %c0_i32_0 = arith.constant 0 : i32
    return %arg0, %c0_i32 : i32, i32
  }
  func.func @transform_3(%arg0: i32) -> (i32, i32) {
    %c0_i32 = arith.constant 0 : i32
    %c0_i32_0 = arith.constant 0 : i32
    %c0_i32_1 = arith.constant 0 : i32
    return %c0_i32, %c0_i32_0 : i32, i32
  }
  func.func @transform_4(%arg0: i32) -> (i32, i32) {
    %c0_i32 = arith.constant 0 : i32
    %c0_i32_0 = arith.constant 0 : i32
    return %arg0, %c0_i32 : i32, i32
  }
}

</mosaic_0001>

<sc_bundles>
// kernel: kernel.11.cloned.1.call-start
scs
__scs_entry_jumppad:
0x0: {  	(pc) =	sbr.rel $0x88, $3  }
0x1: {  	(tag) =	ssettag $0x0;
	lr =	simm.s32 $0x1  }
0x2: {  	[smem:$0x3F7F] =	sst lr;
	_ =	strace $0xD0000000  }
0x3: {  	_ = 	snop  }
0x4: {  	_ = 	snop  }
0x5: {  	_ = 	snop  }
0x6: {  	_ = 	snop  }
0x7: {  	_ = 	snop  }
__scs_overlays_trampoline_lowered:
0x8: {  	[smem:$0x3F8E] =	sst s0  }
0x9: {  	[smem:$0x3F8F] =	sst s1  }
0xa: {  	[smem:$0x3F90] =	sst s2  }
0xb: {  	[smem:$0x3F91] =	sst s3  }
0xc: {  	[smem:$0x3F92] =	sst s4  }
0xd: {  	[smem:$0x3F93] =	sst s5  }
0xe: {  	[smem:$0x3F94] =	sst s6  }
0xf: {  	[smem:$0x3F95] =	sst s7  }
0x10: {  	[smem:$0x3F96] =	sst s8  }
0x11: {  	[smem:$0x3F97] =	sst s9;
	s0 =	simm.s32 @!p0 $0x0  }
0x12: {  	s1 =	sld [smem:$0x3F7D];
	s0 =	simm.s32 @p0 $0x1  }
0x13: {  	[smem:$0x3F98] =	sst s0;
	s0 =	simm.s32 @!p1 $0x0  }
0x14: {  	s2 =	sld [smem:$0x3F7C];
	s0 =	simm.s32 @p1 $0x1  }
0x15: {  	[smem:$0x3F99] =	sst s0;
	s0 =	simm.s32 @!p2 $0x0  }
0x16: {  	s3 =	sld [smem:$0x3FDB];
	s0 =	simm.s32 @p2 $0x1  }
0x17: {  	s4 =	simm.s32 $0x1BF5;
	[smem:$0x3F9B] =	sst s0  }
0x18: {  	s0 =	sld [smem:$0x3F7E];
	_ =	swait.ge [sflag:s4], $0x0  }
0x19: {  	s7 =	sld [smem:$0x3F7F]  }
0x1a: {  	s8 =	sadd.s32 $0xFFFFE003, lr  }
0x1b: {  	s9 =	sadd.s32 $0xFFFFFEF7, lr;
	s5 =	simm.s32 $0xFFFFFFFF;
	p2 =	slt.u32 s8, $0xFFFFF086  }
0x1c: {  	p1 =	slt.u32 s9, $0xF7A;
	s5 =	simm.s32 @!p2 $0x0  }
0x1d: {  	s5 =	simm.s32 @p1 $0x1;
	p0 =	seq.s32 s7, s2  }
0x1e: {  	s7 =	smul.u32 @!p0 $0xF7A, s2;
	p2 =	seq.s32 @!p0 s5, $0x0  }
0x1f: {  	s9 =	smul.u32 $0xF7A, s1;
	s8 =	simm.s32 @!p0 $0x1BF5;
	p2 =	por !p2, p0  }
0x20: {  	[sflag:s8] =	ssyncset.s32 @!p0 $0xFFFFF086;
	s6 =	sadd.s32 @!p0 s3, s7;
	s7 =	simm.s32 @!p0 $0x108  }
0x21: {  	s3 =	sadd.s32 s3, s9;
	s6 =	sadd.s32 @!p0 $0x88, s6;
	s7 =	simm.s32 @p2 $0x1082  }
0x22: {  	[simem:s7], [sflag:s8] =	dma.local @!p0 [hbm:s6], $0xF7A  }
0x23: {  	s9 =	sor.u32 $0xD0000000, s2;
	s6 =	simm.s32 $0x108;
	_ =	swait.ge @!p0 [sflag:s8], $0x0  }
0x24: {  	s3 =	sadd.s32 $0x88, s3;
	s6 =	simm.s32 @!p1 $0x1082;
	[sflag:s4] =	ssyncset.s32 $0xFFFFF086  }
0x25: {  	[simem:s6], [sflag:s4] =	dma.local [hbm:s3], $0xF7A  }
0x26: {  	[smem:$0x3F7F] =	sst s1;
	(tag) =	ssettag s2;
	_ =	strace s9  }
0x27: {  	s1 =	sld [smem:$0x3F8F]  }
0x28: {  	s2 =	sld [smem:$0x3F90]  }
0x29: {  	s4 =	sld [smem:$0x3F92]  }
0x2a: {  	p0 =	seq.s32 s5, $0x0;
	s5 =	sld [smem:$0x3F93]  }
0x2b: {  	s6 =	sld [smem:$0x3F94]  }
0x2c: {  	s7 =	sld [smem:$0x3F95]  }
0x2d: {  	s3 =	simm.s32 $0x108;
	s8 =	sld [smem:$0x3F96]  }
0x2e: {  	s3 =	simm.s32 @!p0 $0x1082;
	s9 =	sld [smem:$0x3F97]  }
0x2f: {  	lr =	sadd.s32 s0, s3;
	s0 =	sld [smem:$0x3F8E]  }
0x30: {  	s3 =	sld [smem:$0x3F91]  }
0x31: {  	[smem:$0x3F9A] =	sst s10  }
0x32: {  	s10 =	sld [smem:$0x3F98];
	_ =	sdelay $0x3  }
0x33: {  	p0 =	seq.s32 s10, $0x1;
	s10 =	sld [smem:$0x3F9A];
	_ =	sdelay $0x3  }
0x34: {  	[smem:$0x3F9A] =	sst s10  }
0x35: {  	s10 =	sld [smem:$0x3F99];
	_ =	sdelay $0x3  }
0x36: {  	p1 =	seq.s32 s10, $0x1;
	s10 =	sld [smem:$0x3F9A];
	_ =	sdelay $0x3  }
0x37: {  	[smem:$0x3F9A] =	sst s10  }
0x38: {  	s10 =	sld [smem:$0x3F9B]  }
0x39: {  	_ = 	snop;
	(pc) =	sbr.ind lr, $3  }
0x3a: {  	_ = 	snop  }
0x3b: {  	_ = 	snop  }
0x3c: {  	p2 =	seq.s32 s10, $0x1;
	s10 =	sld [smem:$0x3F9A]  }
0x3d: {  	_ =	shalt  }
0x3e: {  	_ =	shalt  }
0x3f: {  	_ =	shalt  }
0x40: {  	_ =	shalt  }
0x41: {  	_ =	shalt  }
0x42: {  	_ =	shalt  }
0x43: {  	_ =	shalt  }
0x44: {  	_ =	shalt  }
0x45: {  	_ =	shalt  }
0x46: {  	_ =	shalt  }
0x47: {  	_ =	shalt  }
0x48: {  	_ =	shalt  }
0x49: {  	_ =	shalt  }
0x4a: {  	_ =	shalt  }
0x4b: {  	_ =	shalt  }
0x4c: {  	_ =	shalt  }
0x4d: {  	_ =	shalt  }
0x4e: {  	_ =	shalt  }
0x4f: {  	_ =	shalt  }
0x50: {  	_ =	shalt  }
0x51: {  	_ =	shalt  }
0x52: {  	_ =	shalt  }
0x53: {  	_ =	shalt  }
0x54: {  	_ =	shalt  }
0x55: {  	_ =	shalt  }
0x56: {  	_ =	shalt  }
0x57: {  	_ =	shalt  }
0x58: {  	_ =	shalt  }
0x59: {  	_ =	shalt  }
0x5a: {  	_ =	shalt  }
0x5b: {  	_ =	shalt  }
0x5c: {  	_ =	shalt  }
0x5d: {  	_ =	shalt  }
0x5e: {  	_ =	shalt  }
0x5f: {  	_ =	shalt  }
0x60: {  	_ =	shalt  }
0x61: {  	_ =	shalt  }
0x62: {  	_ =	shalt  }
0x63: {  	_ =	shalt  }
0x64: {  	_ =	shalt  }
0x65: {  	_ =	shalt  }
0x66: {  	_ =	shalt  }
0x67: {  	_ =	shalt  }
0x68: {  	_ =	shalt  }
0x69: {  	_ =	shalt  }
0x6a: {  	_ =	shalt  }
0x6b: {  	_ =	shalt  }
0x6c: {  	_ =	shalt  }
0x6d: {  	_ =	shalt  }
0x6e: {  	_ =	shalt  }
0x6f: {  	_ =	shalt  }
0x70: {  	_ =	shalt  }
0x71: {  	_ =	shalt  }
0x72: {  	_ =	shalt  }
0x73: {  	_ =	shalt  }
0x74: {  	_ =	shalt  }
0x75: {  	_ =	shalt  }
0x76: {  	_ =	shalt  }
0x77: {  	_ =	shalt  }
0x78: {  	_ =	shalt  }
0x79: {  	_ =	shalt  }
0x7a: {  	_ =	shalt  }
0x7b: {  	_ =	shalt  }
0x7c: {  	_ =	shalt  }
0x7d: {  	_ =	shalt  }
0x7e: {  	_ =	shalt  }
0x7f: {  	_ =	shalt  }
0x80: {  	_ =	shalt  }
0x81: {  	_ =	shalt  }
0x82: {  	_ =	shalt  }
0x83: {  	_ =	shalt  }
0x84: {  	_ =	shalt  }
0x85: {  	_ =	shalt  }
0x86: {  	_ =	shalt  }
0x87: {  	_ =	shalt  }
.Lfunc_end0:
.L_simem_size_0:
called_computation_lowered:
.L_overlay_start_0:
0x88: {  	s2 =	sld [smem:$0x3FD9]  }
0x89: {  	s3 =	sld [smem:$0x3FFE];
	_ =	sdelay $0x1  }
0x8a: {  	s1 =	srdreg.scid  }
0x8b: {  	s0 =	sand.u32 $0x1, s1  }
0x8c: {  	s16 =	sshll.u32 s0, $0xA;
	s2 =	sadd.s32 s3, s2  }
0x8d: {  	s2 =	sadd.s32 s2, s16  }
0x8e: {  	[smem:$0x3FA6] =	sst s2  }
0x8f: {  	_ = 	snop  }
0x90: {  	(tm) =	ssettm $0x1  }
0x91: {  	s17 =	sld [smem:$0x3FFB];
	_ =	sdelay $0x3  }
0x92: {  	_ =	strace s17  }
0x93: {  	s2 =	sld [smem:$0x3FFC];
	_ =	sdelay $0x3  }
0x94: {  	_ =	strace s2  }
0x95: {  	s2 =	sld [smem:$0x3FFD];
	_ =	sdelay $0x3  }
0x96: {  	_ =	strace s2  }
0x97: {  	_ =	strace $0x8FFFFFFF  }
0x98: {  	s18 =	sld [smem:$0x3FDB];
	_ =	sdelay $0x1  }
0x99: {  	s19 =	simm.s32 $_scs_section_size  }
0x9a: {  	s4 =	simm.s32 $_size__tile_overlayer_lowered;
	s5 =	simm.s32 $_tile_overlayer_lowered  }
0x9b: {  	s22 =	simm.s32 $0x1BFF;
	s21 =	sshll.u32 s5, $0x1;
	s2 =	sadd.s32 s19, s18  }
0x9c: {  	s6 =	simm.s32 $0x0;
	s20 =	sshll.u32 s4, $0x1;
	s4 =	sadd.s32 s21, s2  }
0x9d: {  	[timem:s6], [sflag:s22] =	dma.local [hbm:s4], s20  }
0x9e: {  	_ =	swait.ge [sflag:s22], s20  }
0x9f: {  	s3 =	ssub.s32 $0x0, s20;
	[sflag:s22] =	ssyncset.done $0x0  }
0xa0: {  	[sflag:s22] =	ssyncadd.s32 s3;
	_ =	sdelay $0x1  }
0xa1: {  	s23 =	simm.s32 $0x1B8B  }
0xa2: {  	_ =	swait.ge [sflag:s23], $0x1  }
0xa3: {  	[sflag:s23] =	ssyncset.done $0x0  }
0xa4: {  	s25 =	simm.s32 $0x1B8E;
	s24 =	sld [smem:$0x3FFE];
	[sflag:s23] =	ssyncadd.s32 $0xFFFFFFFF  }
0xa5: {  	s26 =	simm.s32 $execute0_lowered;
	[smem:$0x3FD2] =	sst s25  }
0xa6: {  	s4 =	sshll.u32 s26, $0x1;
	_ =	strace $0x80000046;
	[dreg:$0x1] =	wrdreg $0xFFFFFFFF  }
0xa7: {  	s28 =	simm.s32 $_size_execute0_lowered;
	s2 =	sadd.s32 s2, s4;
	[dreg:$0x0] =	wrdreg $0x0  }
0xa8: {  	s4 =	sshll.u32 s28, $0x1;
	[dreg:$0x2] =	wrdreg s2  }
0xa9: {  	[dreg:$0x3] =	wrdreg s4  }
0xaa: {  	[dreg:$0x4] =	wrdreg $0xC0  }
0xab: {  	_ =	task [dreg:s6], $0x5FFFF  }
0xac: {  	[dreg:$0x1] =	wrdreg $0xFFFFFFFF  }
0xad: {  	[dreg:$0x0] =	wrdreg $0x60  }
0xae: {  	[dreg:$0x2] =	wrdreg s24  }
0xaf: {  	[dreg:$0x3] =	wrdreg $0xA  }
0xb0: {  	_ =	task.clear_ibuf [dreg:s6], $0x4FFFF;
	_ =	strace $0x90000046  }
0xb1: {  	s29 =	simm.s32 $0xA;
	_ =	strace $0x80000048  }
0xb2: {  	_ =	swait.ge [sflag:s29], $0x1  }
0xb3: {  	[sflag:s29] =	ssyncadd.s32 $0xFFFFFFFF  }
0xb4: {  	_ =	strace $0x90000048  }
0xb5: {  	_ =	sfence  }
0xb6: {  	s30 =	sld [smem:$0x0];
	_ =	sdelay $0x2  }
0xb7: {  	s31 =	sshll.u32 s1, $0xD;
	s1 =	sshrl.u32 s1, $0x2  }
0xb8: {  	s3 =	sand.u32 $0x4000, s31;
	s1 =	sadd.s32 s1, s30  }
0xb9: {  	s0 =	sor.u32 s3, s0;
	s1 =	sshll.u32 s1, $0x11  }
0xba: {  	s0 =	sor.u32 s1, s0  }
0xbb: {  	s0 =	sadd.s32 $0x8F2B, s0  }
0xbc: {  	[sflag:s0] =	ssyncadd.remote.s32 $0x1  }
0xbd: {  	_ =	sfence.sel $0xFFFF  }
0xbe: {  	[dreg:$0x0] =	wrdreg $0xFFFFFFFF;
	(pc) =	sbr.abs _section_cstart, $3  }
0xbf: {  	[dreg:$0x1] =	wrdreg $0xFFFFFFFF  }
0xc0: {  	_ =	task.clear_ibuf [dreg:s6], $0x2FFFF;
	_ =	strace $0x9FFFFFFF  }
0xc1: {  	(tm) =	ssettm $0x7FFFFFFF  }
tec
execute0_lowered:
.L_overlay_start_1:
0x0: {  	(tag) =	ssettag $0x1  }
0x1: {  	s4 =	rddreg [dreg:$0x0]  }
0x2: {  	s0 =	rddreg [dreg:$0x1];
	s2 =	simm.s32 $0x0  }
0x3: {  	s3 =	srdreg.scid;
	s1 =	stileid.u32;
	s9 =	simm.s32 $0x880  }
0x4: {  	s10 =	simm.s32 $0x1080;
	s11 =	simm.s32 $0x1880;
	s12 =	simm.s32 $0x2080  }
0x5: {  	s13 =	simm.s32 $0x2880;
	s14 =	simm.s32 $0x3080;
	s15 =	simm.s32 $0x3880  }
0x6: {  	s16 =	simm.s32 $0x4080;
	s17 =	simm.s32 $0x4880;
	s18 =	simm.s32 $0x5080  }
0x7: {  	s19 =	simm.s32 $0x5880;
	s20 =	simm.s32 $0x6080;
	s21 =	simm.s32 $0x6880  }
0x8: {  	s22 =	simm.s32 $0x7080;
	s23 =	simm.s32 $0x7880;
	s24 =	simm.s32 $0x1  }
0x9: {  	[smem:$0x7FF] =	sst s2;
	s5 =	sand.u32 $0x1, s3;
	s6 =	sshll.u32 s1, $0x1  }
0xa: {  	s3 =	sadd.s32 $0x52000, s4;
	_ =	strace $0x80000047;
	s6 =	sor.u32 s5, s6  }
0xb: {  	s5 =	ssub.s32 $0x2, s5;
	s7 =	sshll.u32 s6, $0x4;
	s6 =	sshll.u32 s6, $0xC  }
0xc: {  	v2 =	vlaneseq.u32;
	s8 =	sshrl.u32 s5, $0x1;
	s7 =	sadd.s32 s7, s4;
	s6 =	sadd.s32 s6, s4  }
0xd: {  	vm0 =	vmmov $0xffff;
	v1 =	vshrl.u32 v2, $0x3;
	s8 =	ssub.s32 s5, s8;
	s4 =	sadd.s32 $0xD2000, s7;
	s5 =	sadd.s32 $0xD2200, s6  }
0xe: {  	v0 =	vand.u32 $0x7, v2;
	v2 =	vor.u32 $0x8, v2;
	v1 =	vmul.u32 $0x8, v1;
	s6 =	smax.u32 s8, $0x1;
	s7 =	simm.s32 $0x2;
	s8 =	simm.s32 $0x80  }
.LBB2_1:
0xf: {  	[tilespmem:s2], [sflag:$0x2] =	stream.linear.gather [hbm4b:s4+s2], $0x80, $0x38;
	[tilespmem:$0x8080] =	vst v63  }
0x10: {  	_ =	swait.ge [sflag:s7], $0x80  }
0x11: {  	[sflag:s7] =	ssyncset.done $0x0  }
0x12: {  	[sflag:s7] =	ssyncadd.s32 $0xFFFFFF80  }
0x13: {  	v3 =	vld [tilespmem:$0x0];
	_ =	sdelay $0x4  }
0x14: {  	v4 =	vshll.u32 v3, $0x1  }
0x15: {  	v3 =	vand.u32 $0x7, v3;
	v4 =	vand.u32 $0xFFFFFFF0, v4  }
0x16: {  	v3 =	vor.u32 v3, v4  }
0x17: {  	v4 =	vperm.xlane v3, v0;
	_ =	sdelay $0x1  }
0x18: {  	v3 =	vperm.xlane v3, v2;
	v4 =	vadd.s32 v1, v4;
	_ =	sdelay $0x1  }
0x19: {  	v3 =	vadd.s32 v1, v3;
	_ =	sdelay $0x2  }
0x1a: {  	[tilespmem:s8], [sflag:$0x1] =	stream.indirect_vreg.gather [hbm4b:s3+s2], $0x80, v4, vm0, $0xb8;
	[tilespmem:$0x8080] =	vst v63  }
0x1b: {  	_ = 	snop  }
0x1c: {  	[tilespmem:s9], [sflag:$0x1] =	stream.indirect_vreg.gather [hbm4b:s3+s2], $0x80, v3, vm0, $0xb8;
	[tilespmem:$0x8080] =	vst v63  }
0x1d: {  	v3 =	vld [tilespmem:$0x10];
	_ =	sdelay $0x4  }
0x1e: {  	v57 =	vshll.u32 v3, $0x1  }
0x1f: {  	v3 =	vand.u32 $0x7, v3;
	v4 =	vand.u32 $0xFFFFFFF0, v57  }
0x20: {  	v3 =	vor.u32 v3, v4  }
0x21: {  	v4 =	vperm.xlane v3, v0;
	_ =	sdelay $0x1  }
0x22: {  	v3 =	vperm.xlane v3, v2;
	v4 =	vadd.s32 v1, v4;
	_ =	sdelay $0x1  }
0x23: {  	v3 =	vadd.s32 v1, v3;
	_ =	sdelay $0x2  }
0x24: {  	[tilespmem:s10], [sflag:$0x1] =	stream.indirect_vreg.gather [hbm4b:s3+s2], $0x80, v4, vm0, $0xb8;
	[tilespmem:$0x8080] =	vst v63  }
0x25: {  	_ = 	snop  }
0x26: {  	[tilespmem:s11], [sflag:$0x1] =	stream.indirect_vreg.gather [hbm4b:s3+s2], $0x80, v3, vm0, $0xb8;
	[tilespmem:$0x8080] =	vst v63  }
0x27: {  	v3 =	vld [tilespmem:$0x20];
	_ =	sdelay $0x4  }
0x28: {  	v58 =	vshll.u32 v3, $0x1  }
0x29: {  	v3 =	vand.u32 $0x7, v3;
	v4 =	vand.u32 $0xFFFFFFF0, v58  }
0x2a: {  	v3 =	vor.u32 v3, v4  }
0x2b: {  	v4 =	vperm.xlane v3, v0;
	_ =	sdelay $0x1  }
0x2c: {  	v3 =	vperm.xlane v3, v2;
	v4 =	vadd.s32 v1, v4;
	_ =	sdelay $0x1  }
0x2d: {  	v3 =	vadd.s32 v1, v3;
	_ =	sdelay $0x2  }
0x2e: {  	[tilespmem:s12], [sflag:$0x1] =	stream.indirect_vreg.gather [hbm4b:s3+s2], $0x80, v4, vm0, $0xb8;
	[tilespmem:$0x8080] =	vst v63  }
0x2f: {  	_ = 	snop  }
0x30: {  	[tilespmem:s13], [sflag:$0x1] =	stream.indirect_vreg.gather [hbm4b:s3+s2], $0x80, v3, vm0, $0xb8;
	[tilespmem:$0x8080] =	vst v63  }
0x31: {  	v3 =	vld [tilespmem:$0x30];
	_ =	sdelay $0x4  }
0x32: {  	v59 =	vshll.u32 v3, $0x1  }
0x33: {  	v3 =	vand.u32 $0x7, v3;
	v4 =	vand.u32 $0xFFFFFFF0, v59  }
0x34: {  	v3 =	vor.u32 v3, v4  }
0x35: {  	v4 =	vperm.xlane v3, v0;
	_ =	sdelay $0x1  }
0x36: {  	v3 =	vperm.xlane v3, v2;
	v4 =	vadd.s32 v1, v4;
	_ =	sdelay $0x1  }
0x37: {  	v3 =	vadd.s32 v1, v3;
	_ =	sdelay $0x2  }
0x38: {  	[tilespmem:s14], [sflag:$0x1] =	stream.indirect_vreg.gather [hbm4b:s3+s2], $0x80, v4, vm0, $0xb8;
	[tilespmem:$0x8080] =	vst v63  }
0x39: {  	_ = 	snop  }
0x3a: {  	[tilespmem:s15], [sflag:$0x1] =	stream.indirect_vreg.gather [hbm4b:s3+s2], $0x80, v3, vm0, $0xb8;
	[tilespmem:$0x8080] =	vst v63  }
0x3b: {  	v3 =	vld [tilespmem:$0x40];
	_ =	sdelay $0x4  }
0x3c: {  	v60 =	vshll.u32 v3, $0x1  }
0x3d: {  	v3 =	vand.u32 $0x7, v3;
	v4 =	vand.u32 $0xFFFFFFF0, v60  }
0x3e: {  	v3 =	vor.u32 v3, v4  }
0x3f: {  	v4 =	vperm.xlane v3, v0;
	_ =	sdelay $0x1  }
0x40: {  	v3 =	vperm.xlane v3, v2;
	v4 =	vadd.s32 v1, v4;
	_ =	sdelay $0x1  }
0x41: {  	v3 =	vadd.s32 v1, v3;
	_ =	sdelay $0x2  }
0x42: {  	[tilespmem:s16], [sflag:$0x1] =	stream.indirect_vreg.gather [hbm4b:s3+s2], $0x80, v4, vm0, $0xb8;
	[tilespmem:$0x8080] =	vst v63  }
0x43: {  	_ = 	snop  }
0x44: {  	[tilespmem:s17], [sflag:$0x1] =	stream.indirect_vreg.gather [hbm4b:s3+s2], $0x80, v3, vm0, $0xb8;
	[tilespmem:$0x8080] =	vst v63  }
0x45: {  	v3 =	vld [tilespmem:$0x50];
	_ =	sdelay $0x4  }
0x46: {  	v61 =	vshll.u32 v3, $0x1  }
0x47: {  	v3 =	vand.u32 $0x7, v3;
	v4 =	vand.u32 $0xFFFFFFF0, v61  }
0x48: {  	v3 =	vor.u32 v3, v4  }
0x49: {  	v4 =	vperm.xlane v3, v0;
	_ =	sdelay $0x1  }
0x4a: {  	v3 =	vperm.xlane v3, v2;
	v4 =	vadd.s32 v1, v4;
	_ =	sdelay $0x1  }
0x4b: {  	v3 =	vadd.s32 v1, v3;
	_ =	sdelay $0x2  }
0x4c: {  	[tilespmem:s18], [sflag:$0x1] =	stream.indirect_vreg.gather [hbm4b:s3+s2], $0x80, v4, vm0, $0xb8;
	[tilespmem:$0x8080] =	vst v63  }
0x4d: {  	_ = 	snop  }
0x4e: {  	[tilespmem:s19], [sflag:$0x1] =	stream.indirect_vreg.gather [hbm4b:s3+s2], $0x80, v3, vm0, $0xb8;
	[tilespmem:$0x8080] =	vst v63  }
0x4f: {  	v3 =	vld [tilespmem:$0x60];
	_ =	sdelay $0x4  }
0x50: {  	v62 =	vshll.u32 v3, $0x1  }
0x51: {  	v3 =	vand.u32 $0x7, v3;
	v4 =	vand.u32 $0xFFFFFFF0, v62  }
0x52: {  	v3 =	vor.u32 v3, v4  }
0x53: {  	v4 =	vperm.xlane v3, v0;
	_ =	sdelay $0x1  }
0x54: {  	v3 =	vperm.xlane v3, v2;
	v4 =	vadd.s32 v1, v4;
	_ =	sdelay $0x1  }
0x55: {  	v3 =	vadd.s32 v1, v3;
	_ =	sdelay $0x2  }
0x56: {  	[tilespmem:s20], [sflag:$0x1] =	stream.indirect_vreg.gather [hbm4b:s3+s2], $0x80, v4, vm0, $0xb8;
	[tilespmem:$0x8080] =	vst v63  }
0x57: {  	_ = 	snop  }
0x58: {  	[tilespmem:s21], [sflag:$0x1] =	stream.indirect_vreg.gather [hbm4b:s3+s2], $0x80, v3, vm0, $0xb8;
	[tilespmem:$0x8080] =	vst v63  }
0x59: {  	v3 =	vld [tilespmem:$0x70];
	_ =	sdelay $0x4  }
0x5a: {  	v63 =	vshll.u32 v3, $0x1  }
0x5b: {  	v3 =	vand.u32 $0x7, v3;
	v4 =	vand.u32 $0xFFFFFFF0, v63  }
0x5c: {  	v3 =	vor.u32 v3, v4  }
0x5d: {  	v4 =	vperm.xlane v3, v0;
	_ =	sdelay $0x1  }
0x5e: {  	v3 =	vperm.xlane v3, v2;
	v4 =	vadd.s32 v1, v4;
	_ =	sdelay $0x1  }
0x5f: {  	v3 =	vadd.s32 v1, v3;
	_ =	sdelay $0x2  }
0x60: {  	[tilespmem:s22], [sflag:$0x1] =	stream.indirect_vreg.gather [hbm4b:s3+s2], $0x80, v4, vm0, $0xb8;
	[tilespmem:$0x8080] =	vst v63  }
0x61: {  	_ = 	snop  }
0x62: {  	[tilespmem:s23], [sflag:$0x1] =	stream.indirect_vreg.gather [hbm4b:s3+s2], $0x80, v3, vm0, $0xb8;
	[tilespmem:$0x8080] =	vst v63  }
0x63: {  	_ =	swait.ge [sflag:s24], $0x8000  }
0x64: {  	p0 =	sne.s32 s6, $0x1;
	[sflag:s24] =	ssyncset.done $0x0  }
.Ltmp0:
0x65: {  	[sflag:s24] =	ssyncadd.s32 $0xFFFF8000;
	(pc) =	sbr.rel @p0 .LBB2_1-.Ltmp0, $4  }
0x66: {  	[hbm4b:s5+s2] =	stream.linear.scatter [tilespmem:s8], [sflag:$0x2], $0x8000, $0x38;
	[tilespmem:$0x8080] =	vst v63  }
0x67: {  	_ =	swait.ge [sflag:s7], $0x8000  }
0x68: {  	[sflag:s7] =	ssyncset.done $0x0  }
0x69: {  	s6 =	sadd.s32 $0xFFFFFFFF, s6;
	[sflag:s7] =	ssyncadd.s32 $0xFFFF8000  }
0x6a: {  	_ =	sfence.sel $0x180000  }
0x6b: {  	[bflag:$0x0] =	sbarrier.arrive $0xFFFF  }
0x6c: {  	p0 =	sne.s32 s1, $0x0;
	_ =	strace $0x90000047  }
0x6d: {  	s0 =	sadd.s32 @!p0 $0x100000, s0;
	[bflag:$0x2] =	sbarrier.arrive $0xFFFF  }
0x6e: {  	[sflag:s0] =	ssyncadd.tile.s32 @!p0 $0x1;
	_ =	shalt  }
.Lfunc_end2:
_tile_overlayer_lowered:
.L_overlay_start_2:
0x6f: {  	(tag) =	ssettag $0x2  }
0x70: {  	s0 =	rddreg [dreg:$0x0];
	s2 =	stileid.u32  }
0x71: {  	s1 =	rddreg [dreg:$0x1];
	p0 =	sne.s32 s2, $0x0  }
0x72: {  	s3 =	rddreg [dreg:$0x2];
	[bflag:$0x3] =	sbarrier.arrive $0xFFFF;
	s2 =	simm.s32 @!p0 $0x1C02  }
0x73: {  	[timem:s3], [sflag:s2] =	dma.local @!p0 [hbm:s0], s1  }
0x74: {  	s0 =	simm.s32 @!p0 $0x2  }
0x75: {  	_ =	swait.ge @!p0 [sflag:s0], s1  }
0x76: {  	s1 =	ssub.s32 @!p0 $0x0, s1;
	[sflag:s0] =	ssyncset.done @!p0 $0x0  }
0x77: {  	[sflag:s0] =	ssyncadd.s32 @!p0 s1  }
0x78: {  	[bflag:$0x3] =	sbarrier.arrive $0xFFFF  }
0x79: {  	_ =	shalt  }

// kernel: kernel.14.cloned.1.call-start
scs
__scs_entry_jumppad:
0x0: {  	(pc) =	sbr.rel $0x88, $3  }
0x1: {  	(tag) =	ssettag $0x0;
	lr =	simm.s32 $0x1  }
0x2: {  	[smem:$0x3F7F] =	sst lr;
	_ =	strace $0xD0000000  }
0x3: {  	_ = 	snop  }
0x4: {  	_ = 	snop  }
0x5: {  	_ = 	snop  }
0x6: {  	_ = 	snop  }
0x7: {  	_ = 	snop  }
__scs_overlays_trampoline_lowered:
0x8: {  	[smem:$0x3F8E] =	sst s0  }
0x9: {  	[smem:$0x3F8F] =	sst s1  }
0xa: {  	[smem:$0x3F90] =	sst s2  }
0xb: {  	[smem:$0x3F91] =	sst s3  }
0xc: {  	[smem:$0x3F92] =	sst s4  }
0xd: {  	[smem:$0x3F93] =	sst s5  }
0xe: {  	[smem:$0x3F94] =	sst s6  }
0xf: {  	[smem:$0x3F95] =	sst s7  }
0x10: {  	[smem:$0x3F96] =	sst s8  }
0x11: {  	[smem:$0x3F97] =	sst s9;
	s0 =	simm.s32 @!p0 $0x0  }
0x12: {  	s1 =	sld [smem:$0x3F7D];
	s0 =	simm.s32 @p0 $0x1  }
0x13: {  	[smem:$0x3F98] =	sst s0;
	s0 =	simm.s32 @!p1 $0x0  }
0x14: {  	s2 =	sld [smem:$0x3F7C];
	s0 =	simm.s32 @p1 $0x1  }
0x15: {  	[smem:$0x3F99] =	sst s0;
	s0 =	simm.s32 @!p2 $0x0  }
0x16: {  	s3 =	sld [smem:$0x3FDB];
	s0 =	simm.s32 @p2 $0x1  }
0x17: {  	s4 =	simm.s32 $0x1BF5;
	[smem:$0x3F9B] =	sst s0  }
0x18: {  	s0 =	sld [smem:$0x3F7E];
	_ =	swait.ge [sflag:s4], $0x0  }
0x19: {  	s7 =	sld [smem:$0x3F7F]  }
0x1a: {  	s8 =	sadd.s32 $0xFFFFE003, lr  }
0x1b: {  	s9 =	sadd.s32 $0xFFFFFEF7, lr;
	s5 =	simm.s32 $0xFFFFFFFF;
	p2 =	slt.u32 s8, $0xFFFFF086  }
0x1c: {  	p1 =	slt.u32 s9, $0xF7A;
	s5 =	simm.s32 @!p2 $0x0  }
0x1d: {  	s5 =	simm.s32 @p1 $0x1;
	p0 =	seq.s32 s7, s2  }
0x1e: {  	s7 =	smul.u32 @!p0 $0xF7A, s2;
	p2 =	seq.s32 @!p0 s5, $0x0  }
0x1f: {  	s9 =	smul.u32 $0xF7A, s1;
	s8 =	simm.s32 @!p0 $0x1BF5;
	p2 =	por !p2, p0  }
0x20: {  	[sflag:s8] =	ssyncset.s32 @!p0 $0xFFFFF086;
	s6 =	sadd.s32 @!p0 s3, s7;
	s7 =	simm.s32 @!p0 $0x108  }
0x21: {  	s3 =	sadd.s32 s3, s9;
	s6 =	sadd.s32 @!p0 $0x88, s6;
	s7 =	simm.s32 @p2 $0x1082  }
0x22: {  	[simem:s7], [sflag:s8] =	dma.local @!p0 [hbm:s6], $0xF7A  }
0x23: {  	s9 =	sor.u32 $0xD0000000, s2;
	s6 =	simm.s32 $0x108;
	_ =	swait.ge @!p0 [sflag:s8], $0x0  }
0x24: {  	s3 =	sadd.s32 $0x88, s3;
	s6 =	simm.s32 @!p1 $0x1082;
	[sflag:s4] =	ssyncset.s32 $0xFFFFF086  }
0x25: {  	[simem:s6], [sflag:s4] =	dma.local [hbm:s3], $0xF7A  }
0x26: {  	[smem:$0x3F7F] =	sst s1;
	(tag) =	ssettag s2;
	_ =	strace s9  }
0x27: {  	s1 =	sld [smem:$0x3F8F]  }
0x28: {  	s2 =	sld [smem:$0x3F90]  }
0x29: {  	s4 =	sld [smem:$0x3F92]  }
0x2a: {  	p0 =	seq.s32 s5, $0x0;
	s5 =	sld [smem:$0x3F93]  }
0x2b: {  	s6 =	sld [smem:$0x3F94]  }
0x2c: {  	s7 =	sld [smem:$0x3F95]  }
0x2d: {  	s3 =	simm.s32 $0x108;
	s8 =	sld [smem:$0x3F96]  }
0x2e: {  	s3 =	simm.s32 @!p0 $0x1082;
	s9 =	sld [smem:$0x3F97]  }
0x2f: {  	lr =	sadd.s32 s0, s3;
	s0 =	sld [smem:$0x3F8E]  }
0x30: {  	s3 =	sld [smem:$0x3F91]  }
0x31: {  	[smem:$0x3F9A] =	sst s10  }
0x32: {  	s10 =	sld [smem:$0x3F98];
	_ =	sdelay $0x3  }
0x33: {  	p0 =	seq.s32 s10, $0x1;
	s10 =	sld [smem:$0x3F9A];
	_ =	sdelay $0x3  }
0x34: {  	[smem:$0x3F9A] =	sst s10  }
0x35: {  	s10 =	sld [smem:$0x3F99];
	_ =	sdelay $0x3  }
0x36: {  	p1 =	seq.s32 s10, $0x1;
	s10 =	sld [smem:$0x3F9A];
	_ =	sdelay $0x3  }
0x37: {  	[smem:$0x3F9A] =	sst s10  }
0x38: {  	s10 =	sld [smem:$0x3F9B]  }
0x39: {  	_ = 	snop;
	(pc) =	sbr.ind lr, $3  }
0x3a: {  	_ = 	snop  }
0x3b: {  	_ = 	snop  }
0x3c: {  	p2 =	seq.s32 s10, $0x1;
	s10 =	sld [smem:$0x3F9A]  }
0x3d: {  	_ =	shalt  }
0x3e: {  	_ =	shalt  }
0x3f: {  	_ =	shalt  }
0x40: {  	_ =	shalt  }
0x41: {  	_ =	shalt  }
0x42: {  	_ =	shalt  }
0x43: {  	_ =	shalt  }
0x44: {  	_ =	shalt  }
0x45: {  	_ =	shalt  }
0x46: {  	_ =	shalt  }
0x47: {  	_ =	shalt  }
0x48: {  	_ =	shalt  }
0x49: {  	_ =	shalt  }
0x4a: {  	_ =	shalt  }
0x4b: {  	_ =	shalt  }
0x4c: {  	_ =	shalt  }
0x4d: {  	_ =	shalt  }
0x4e: {  	_ =	shalt  }
0x4f: {  	_ =	shalt  }
0x50: {  	_ =	shalt  }
0x51: {  	_ =	shalt  }
0x52: {  	_ =	shalt  }
0x53: {  	_ =	shalt  }
0x54: {  	_ =	shalt  }
0x55: {  	_ =	shalt  }
0x56: {  	_ =	shalt  }
0x57: {  	_ =	shalt  }
0x58: {  	_ =	shalt  }
0x59: {  	_ =	shalt  }
0x5a: {  	_ =	shalt  }
0x5b: {  	_ =	shalt  }
0x5c: {  	_ =	shalt  }
0x5d: {  	_ =	shalt  }
0x5e: {  	_ =	shalt  }
0x5f: {  	_ =	shalt  }
0x60: {  	_ =	shalt  }
0x61: {  	_ =	shalt  }
0x62: {  	_ =	shalt  }
0x63: {  	_ =	shalt  }
0x64: {  	_ =	shalt  }
0x65: {  	_ =	shalt  }
0x66: {  	_ =	shalt  }
0x67: {  	_ =	shalt  }
0x68: {  	_ =	shalt  }
0x69: {  	_ =	shalt  }
0x6a: {  	_ =	shalt  }
0x6b: {  	_ =	shalt  }
0x6c: {  	_ =	shalt  }
0x6d: {  	_ =	shalt  }
0x6e: {  	_ =	shalt  }
0x6f: {  	_ =	shalt  }
0x70: {  	_ =	shalt  }
0x71: {  	_ =	shalt  }
0x72: {  	_ =	shalt  }
0x73: {  	_ =	shalt  }
0x74: {  	_ =	shalt  }
0x75: {  	_ =	shalt  }
0x76: {  	_ =	shalt  }
0x77: {  	_ =	shalt  }
0x78: {  	_ =	shalt  }
0x79: {  	_ =	shalt  }
0x7a: {  	_ =	shalt  }
0x7b: {  	_ =	shalt  }
0x7c: {  	_ =	shalt  }
0x7d: {  	_ =	shalt  }
0x7e: {  	_ =	shalt  }
0x7f: {  	_ =	shalt  }
0x80: {  	_ =	shalt  }
0x81: {  	_ =	shalt  }
0x82: {  	_ =	shalt  }
0x83: {  	_ =	shalt  }
0x84: {  	_ =	shalt  }
0x85: {  	_ =	shalt  }
0x86: {  	_ =	shalt  }
0x87: {  	_ =	shalt  }
.Lfunc_end0:
.L_simem_size_0:
called_computation.1_lowered:
.L_overlay_start_0:
0x88: {  	s2 =	sld [smem:$0x3FD9]  }
0x89: {  	s3 =	sld [smem:$0x3FFE];
	_ =	sdelay $0x1  }
0x8a: {  	s1 =	srdreg.scid  }
0x8b: {  	s0 =	sand.u32 $0x1, s1  }
0x8c: {  	s17 =	sshll.u32 s0, $0xA;
	s2 =	sadd.s32 s3, s2  }
0x8d: {  	s2 =	sadd.s32 s2, s17  }
0x8e: {  	[smem:$0x3FA6] =	sst s2  }
0x8f: {  	_ = 	snop  }
0x90: {  	s18 =	sld [smem:$0x3FD0];
	(tm) =	ssettm $0x1  }
0x91: {  	s19 =	sld [smem:$0x3FFB];
	_ =	sdelay $0x3  }
0x92: {  	_ =	strace s19  }
0x93: {  	s2 =	sld [smem:$0x3FFC];
	_ =	sdelay $0x3  }
0x94: {  	_ =	strace s2  }
0x95: {  	s2 =	sld [smem:$0x3FFD];
	_ =	sdelay $0x3  }
0x96: {  	_ =	strace s2  }
0x97: {  	_ =	strace $0x8FFFFFFF  }
0x98: {  	s20 =	sld [smem:$0x3FDB];
	_ =	sdelay $0x1  }
0x99: {  	s4 =	simm.s32 $_scs_section_size  }
0x9a: {  	s5 =	simm.s32 $_size__tile_overlayer_lowered;
	s6 =	simm.s32 $_tile_overlayer_lowered  }
0x9b: {  	s7 =	simm.s32 $0x1BFF;
	s21 =	sshll.u32 s6, $0x1;
	s4 =	sadd.s32 s4, s20  }
0x9c: {  	s22 =	simm.s32 $0x0;
	s5 =	sshll.u32 s5, $0x1;
	s6 =	sadd.s32 s21, s4  }
0x9d: {  	[timem:s22], [sflag:s7] =	dma.local [hbm:s6], s5  }
0x9e: {  	_ =	swait.ge [sflag:s7], s5  }
0x9f: {  	s5 =	ssub.s32 $0x0, s5;
	[sflag:s7] =	ssyncset.done $0x0  }
0xa0: {  	[sflag:s7] =	ssyncadd.s32 s5;
	_ =	sdelay $0x1  }
0xa1: {  	s23 =	simm.s32 $0x1B8B  }
0xa2: {  	_ =	swait.ge [sflag:s23], $0x1  }
0xa3: {  	[sflag:s23] =	ssyncset.done $0x0  }
0xa4: {  	[sflag:s23] =	ssyncadd.s32 $0xFFFFFFFF  }
0xa5: {  	s5 =	sld [smem:$0x0]  }
0xa6: {  	s6 =	sand.u32 $0xFFFFFFFE, s1  }
0xa7: {  	p0 =	sne.s32 s1, s6  }
0xa8: {  	s6 =	sshll.u32 @p0 s6, $0xE  }
0xa9: {  	s6 =	sadd.s32 @p0 $0x11B8D, s6;
	s7 =	sshll.u32 @p0 s5, $0x11  }
0xaa: {  	s6 =	sor.u32 @p0 s7, s6  }
0xab: {  	[sflag:s6] =	ssyncadd.remote.s32 @p0 $0x1;
	_ =	sdelay $0x1  }
0xac: {  	s6 =	simm.s32 @p0 $0x1B8D  }
0xad: {  	_ =	swait.eq @p0 [sflag:s6], $0x1  }
0xae: {  	[sflag:s6] =	ssyncadd.s32 @p0 $0xFFFFFFFF  }
0xaf: {  	s7 =	sshll.u32 @!p0 s1, $0xE  }
0xb0: {  	s7 =	sor.u32 @!p0 $0x4000, s7;
	s6 =	simm.s32 @!p0 $0x1B8D  }
0xb1: {  	s5 =	sshll.u32 @!p0 s5, $0x11;
	s7 =	sadd.s32 @!p0 $0x11B8D, s7;
	_ =	swait.eq @!p0 [sflag:s6], $0x1  }
0xb2: {  	s5 =	sor.u32 @!p0 s5, s7;
	[sflag:s6] =	ssyncadd.s32 @!p0 $0xFFFFFFFF  }
0xb3: {  	s25 =	simm.s32 $0x1B8E;
	s24 =	sld [smem:$0x3FFE];
	[sflag:s5] =	ssyncadd.remote.s32 @!p0 $0x1  }
0xb4: {  	s26 =	simm.s32 $execute0_lowered;
	[smem:$0x3FD2] =	sst s25  }
0xb5: {  	s6 =	sshll.u32 s26, $0x1;
	_ =	strace $0x80000049;
	[dreg:$0x1] =	wrdreg $0xFFFFFFFF  }
0xb6: {  	s28 =	simm.s32 $_size_execute0_lowered;
	s4 =	sadd.s32 s4, s6;
	[dreg:$0x0] =	wrdreg $0x0  }
0xb7: {  	s6 =	sshll.u32 s28, $0x1;
	[dreg:$0x2] =	wrdreg s4  }
0xb8: {  	[dreg:$0x3] =	wrdreg s6  }
0xb9: {  	[dreg:$0x4] =	wrdreg $0xC0  }
0xba: {  	_ =	task [dreg:s22], $0x5FFFF  }
0xbb: {  	[dreg:$0x1] =	wrdreg $0xFFFFFFFF  }
0xbc: {  	[dreg:$0x0] =	wrdreg $0x60  }
0xbd: {  	[dreg:$0x2] =	wrdreg s24  }
0xbe: {  	[dreg:$0x3] =	wrdreg s18  }
0xbf: {  	[dreg:$0x4] =	wrdreg $0x9  }
0xc0: {  	_ =	task.clear_ibuf [dreg:s22], $0x5FFFF;
	_ =	strace $0x90000049  }
0xc1: {  	s29 =	simm.s32 $0x9;
	_ =	strace $0x8000004B  }
0xc2: {  	_ =	swait.ge [sflag:s29], $0x1  }
0xc3: {  	[sflag:s29] =	ssyncadd.s32 $0xFFFFFFFF  }
0xc4: {  	_ =	strace $0x9000004B  }
0xc5: {  	_ =	sfence  }
0xc6: {  	s30 =	sld [smem:$0x0];
	_ =	sdelay $0x2  }
0xc7: {  	s31 =	sshll.u32 s1, $0xD;
	s1 =	sshrl.u32 s1, $0x2  }
0xc8: {  	s4 =	sand.u32 $0x4000, s31;
	s1 =	sadd.s32 s1, s30  }
0xc9: {  	s0 =	sor.u32 s4, s0;
	s1 =	sshll.u32 s1, $0x11  }
0xca: {  	s0 =	sor.u32 s1, s0  }
0xcb: {  	s0 =	sadd.s32 $0x8F2B, s0  }
0xcc: {  	[sflag:s0] =	ssyncadd.remote.s32 $0x1  }
0xcd: {  	_ =	sfence.sel $0xFFFF  }
0xce: {  	[dreg:$0x0] =	wrdreg $0xFFFFFFFF;
	(pc) =	sbr.abs _section_cstart, $3  }
0xcf: {  	[dreg:$0x1] =	wrdreg $0xFFFFFFFF  }
0xd0: {  	_ =	task.clear_ibuf [dreg:s22], $0x2FFFF;
	_ =	strace $0x9FFFFFFF  }
0xd1: {  	(tm) =	ssettm $0x7FFFFFFF  }
tec
execute0_lowered:
.L_overlay_start_1:
0x0: {  	(tag) =	ssettag $0x1  }
0x1: {  	s4 =	rddreg [dreg:$0x0]  }
0x2: {  	s5 =	rddreg [dreg:$0x1]  }
0x3: {  	s0 =	rddreg [dreg:$0x2]  }
0x4: {  	s2 =	simm.s32 $0x0;
	s3 =	srdreg.scid;
	s1 =	stileid.u32  }
0x5: {  	s10 =	simm.s32 $0x1080;
	s11 =	simm.s32 $0x1880;
	s12 =	simm.s32 $0x2080  }
0x6: {  	s13 =	simm.s32 $0x2880;
	s14 =	simm.s32 $0x3080;
	s15 =	simm.s32 $0x3880  }
0x7: {  	s16 =	simm.s32 $0x4080;
	s17 =	simm.s32 $0x4880;
	s18 =	simm.s32 $0x5080  }
0x8: {  	s19 =	simm.s32 $0x5880;
	s20 =	simm.s32 $0x6080;
	s21 =	simm.s32 $0x6880  }
0x9: {  	s22 =	simm.s32 $0x7080;
	s23 =	simm.s32 $0x7880;
	s24 =	simm.s32 $0x1  }
0xa: {  	[smem:$0x7FF] =	sst s2;
	s3 =	sand.u32 $0x1, s3;
	s6 =	sshll.u32 s1, $0x1  }
0xb: {  	_ =	strace $0x8000004A;
	s6 =	sor.u32 s3, s6;
	s7 =	ssub.s32 $0x2, s3  }
0xc: {  	s3 =	sadd.s32 $0x52000, s4;
	s8 =	sshll.u32 s6, $0xC;
	s9 =	sshrl.u32 s7, $0x1  }
0xd: {  	v2 =	vlaneseq.u32;
	s31 =	sshll.u32 s6, $0x4;
	s8 =	sadd.s32 s8, s4;
	s7 =	ssub.s32 s7, s9  }
0xe: {  	vm0 =	vmmov $0xffff;
	v1 =	vshrl.u32 v2, $0x3;
	s4 =	sadd.s32 s5, s31;
	s9 =	simm.s32 $0x880;
	s5 =	sadd.s32 $0xF2200, s8  }
0xf: {  	v0 =	vand.u32 $0x7, v2;
	v2 =	vor.u32 $0x8, v2;
	v1 =	vmul.u32 $0x8, v1;
	s6 =	smax.u32 s7, $0x1;
	s7 =	simm.s32 $0x2;
	s8 =	simm.s32 $0x80  }
.LBB2_1:
0x10: {  	[tilespmem:s2], [sflag:$0x2] =	stream.linear.gather [hbm4b:s4+s2], $0x80, $0x38;
	[tilespmem:$0x8080] =	vst v63  }
0x11: {  	_ =	swait.ge [sflag:s7], $0x80  }
0x12: {  	[sflag:s7] =	ssyncset.done $0x0  }
0x13: {  	[sflag:s7] =	ssyncadd.s32 $0xFFFFFF80  }
0x14: {  	v3 =	vld [tilespmem:$0x0];
	_ =	sdelay $0x4  }
0x15: {  	v4 =	vshll.u32 v3, $0x1  }
0x16: {  	v3 =	vand.u32 $0x7, v3;
	v4 =	vand.u32 $0xFFFFFFF0, v4  }
0x17: {  	v3 =	vor.u32 v3, v4  }
0x18: {  	v4 =	vperm.xlane v3, v0;
	_ =	sdelay $0x1  }
0x19: {  	v3 =	vperm.xlane v3, v2;
	v4 =	vadd.s32 v1, v4;
	_ =	sdelay $0x1  }
0x1a: {  	v3 =	vadd.s32 v1, v3;
	_ =	sdelay $0x2  }
0x1b: {  	[tilespmem:s8], [sflag:$0x1] =	stream.indirect_vreg.gather [hbm4b:s3+s2], $0x80, v4, vm0, $0xb8;
	[tilespmem:$0x8080] =	vst v63  }
0x1c: {  	_ = 	snop  }
0x1d: {  	[tilespmem:s9], [sflag:$0x1] =	stream.indirect_vreg.gather [hbm4b:s3+s2], $0x80, v3, vm0, $0xb8;
	[tilespmem:$0x8080] =	vst v63  }
0x1e: {  	v3 =	vld [tilespmem:$0x10];
	_ =	sdelay $0x4  }
0x1f: {  	v57 =	vshll.u32 v3, $0x1  }
0x20: {  	v3 =	vand.u32 $0x7, v3;
	v4 =	vand.u32 $0xFFFFFFF0, v57  }
0x21: {  	v3 =	vor.u32 v3, v4  }
0x22: {  	v4 =	vperm.xlane v3, v0;
	_ =	sdelay $0x1  }
0x23: {  	v3 =	vperm.xlane v3, v2;
	v4 =	vadd.s32 v1, v4;
	_ =	sdelay $0x1  }
0x24: {  	v3 =	vadd.s32 v1, v3;
	_ =	sdelay $0x2  }
0x25: {  	[tilespmem:s10], [sflag:$0x1] =	stream.indirect_vreg.gather [hbm4b:s3+s2], $0x80, v4, vm0, $0xb8;
	[tilespmem:$0x8080] =	vst v63  }
0x26: {  	_ = 	snop  }
0x27: {  	[tilespmem:s11], [sflag:$0x1] =	stream.indirect_vreg.gather [hbm4b:s3+s2], $0x80, v3, vm0, $0xb8;
	[tilespmem:$0x8080] =	vst v63  }
0x28: {  	v3 =	vld [tilespmem:$0x20];
	_ =	sdelay $0x4  }
0x29: {  	v58 =	vshll.u32 v3, $0x1  }
0x2a: {  	v3 =	vand.u32 $0x7, v3;
	v4 =	vand.u32 $0xFFFFFFF0, v58  }
0x2b: {  	v3 =	vor.u32 v3, v4  }
0x2c: {  	v4 =	vperm.xlane v3, v0;
	_ =	sdelay $0x1  }
0x2d: {  	v3 =	vperm.xlane v3, v2;
	v4 =	vadd.s32 v1, v4;
	_ =	sdelay $0x1  }
0x2e: {  	v3 =	vadd.s32 v1, v3;
	_ =	sdelay $0x2  }
0x2f: {  	[tilespmem:s12], [sflag:$0x1] =	stream.indirect_vreg.gather [hbm4b:s3+s2], $0x80, v4, vm0, $0xb8;
	[tilespmem:$0x8080] =	vst v63  }
0x30: {  	_ = 	snop  }
0x31: {  	[tilespmem:s13], [sflag:$0x1] =	stream.indirect_vreg.gather [hbm4b:s3+s2], $0x80, v3, vm0, $0xb8;
	[tilespmem:$0x8080] =	vst v63  }
0x32: {  	v3 =	vld [tilespmem:$0x30];
	_ =	sdelay $0x4  }
0x33: {  	v59 =	vshll.u32 v3, $0x1  }
0x34: {  	v3 =	vand.u32 $0x7, v3;
	v4 =	vand.u32 $0xFFFFFFF0, v59  }
0x35: {  	v3 =	vor.u32 v3, v4  }
0x36: {  	v4 =	vperm.xlane v3, v0;
	_ =	sdelay $0x1  }
0x37: {  	v3 =	vperm.xlane v3, v2;
	v4 =	vadd.s32 v1, v4;
	_ =	sdelay $0x1  }
0x38: {  	v3 =	vadd.s32 v1, v3;
	_ =	sdelay $0x2  }
0x39: {  	[tilespmem:s14], [sflag:$0x1] =	stream.indirect_vreg.gather [hbm4b:s3+s2], $0x80, v4, vm0, $0xb8;
	[tilespmem:$0x8080] =	vst v63  }
0x3a: {  	_ = 	snop  }
0x3b: {  	[tilespmem:s15], [sflag:$0x1] =	stream.indirect_vreg.gather [hbm4b:s3+s2], $0x80, v3, vm0, $0xb8;
	[tilespmem:$0x8080] =	vst v63  }
0x3c: {  	v3 =	vld [tilespmem:$0x40];
	_ =	sdelay $0x4  }
0x3d: {  	v60 =	vshll.u32 v3, $0x1  }
0x3e: {  	v3 =	vand.u32 $0x7, v3;
	v4 =	vand.u32 $0xFFFFFFF0, v60  }
0x3f: {  	v3 =	vor.u32 v3, v4  }
0x40: {  	v4 =	vperm.xlane v3, v0;
	_ =	sdelay $0x1  }
0x41: {  	v3 =	vperm.xlane v3, v2;
	v4 =	vadd.s32 v1, v4;
	_ =	sdelay $0x1  }
0x42: {  	v3 =	vadd.s32 v1, v3;
	_ =	sdelay $0x2  }
0x43: {  	[tilespmem:s16], [sflag:$0x1] =	stream.indirect_vreg.gather [hbm4b:s3+s2], $0x80, v4, vm0, $0xb8;
	[tilespmem:$0x8080] =	vst v63  }
0x44: {  	_ = 	snop  }
0x45: {  	[tilespmem:s17], [sflag:$0x1] =	stream.indirect_vreg.gather [hbm4b:s3+s2], $0x80, v3, vm0, $0xb8;
	[tilespmem:$0x8080] =	vst v63  }
0x46: {  	v3 =	vld [tilespmem:$0x50];
	_ =	sdelay $0x4  }
0x47: {  	v61 =	vshll.u32 v3, $0x1  }
0x48: {  	v3 =	vand.u32 $0x7, v3;
	v4 =	vand.u32 $0xFFFFFFF0, v61  }
0x49: {  	v3 =	vor.u32 v3, v4  }
0x4a: {  	v4 =	vperm.xlane v3, v0;
	_ =	sdelay $0x1  }
0x4b: {  	v3 =	vperm.xlane v3, v2;
	v4 =	vadd.s32 v1, v4;
	_ =	sdelay $0x1  }
0x4c: {  	v3 =	vadd.s32 v1, v3;
	_ =	sdelay $0x2  }
0x4d: {  	[tilespmem:s18], [sflag:$0x1] =	stream.indirect_vreg.gather [hbm4b:s3+s2], $0x80, v4, vm0, $0xb8;
	[tilespmem:$0x8080] =	vst v63  }
0x4e: {  	_ = 	snop  }
0x4f: {  	[tilespmem:s19], [sflag:$0x1] =	stream.indirect_vreg.gather [hbm4b:s3+s2], $0x80, v3, vm0, $0xb8;
	[tilespmem:$0x8080] =	vst v63  }
0x50: {  	v3 =	vld [tilespmem:$0x60];
	_ =	sdelay $0x4  }
0x51: {  	v62 =	vshll.u32 v3, $0x1  }
0x52: {  	v3 =	vand.u32 $0x7, v3;
	v4 =	vand.u32 $0xFFFFFFF0, v62  }
0x53: {  	v3 =	vor.u32 v3, v4  }
0x54: {  	v4 =	vperm.xlane v3, v0;
	_ =	sdelay $0x1  }
0x55: {  	v3 =	vperm.xlane v3, v2;
	v4 =	vadd.s32 v1, v4;
	_ =	sdelay $0x1  }
0x56: {  	v3 =	vadd.s32 v1, v3;
	_ =	sdelay $0x2  }
0x57: {  	[tilespmem:s20], [sflag:$0x1] =	stream.indirect_vreg.gather [hbm4b:s3+s2], $0x80, v4, vm0, $0xb8;
	[tilespmem:$0x8080] =	vst v63  }
0x58: {  	_ = 	snop  }
0x59: {  	[tilespmem:s21], [sflag:$0x1] =	stream.indirect_vreg.gather [hbm4b:s3+s2], $0x80, v3, vm0, $0xb8;
	[tilespmem:$0x8080] =	vst v63  }
0x5a: {  	v3 =	vld [tilespmem:$0x70];
	_ =	sdelay $0x4  }
0x5b: {  	v63 =	vshll.u32 v3, $0x1  }
0x5c: {  	v3 =	vand.u32 $0x7, v3;
	v4 =	vand.u32 $0xFFFFFFF0, v63  }
0x5d: {  	v3 =	vor.u32 v3, v4  }
0x5e: {  	v4 =	vperm.xlane v3, v0;
	_ =	sdelay $0x1  }
0x5f: {  	v3 =	vperm.xlane v3, v2;
	v4 =	vadd.s32 v1, v4;
	_ =	sdelay $0x1  }
0x60: {  	v3 =	vadd.s32 v1, v3;
	_ =	sdelay $0x2  }
0x61: {  	[tilespmem:s22], [sflag:$0x1] =	stream.indirect_vreg.gather [hbm4b:s3+s2], $0x80, v4, vm0, $0xb8;
	[tilespmem:$0x8080] =	vst v63  }
0x62: {  	_ = 	snop  }
0x63: {  	[tilespmem:s23], [sflag:$0x1] =	stream.indirect_vreg.gather [hbm4b:s3+s2], $0x80, v3, vm0, $0xb8;
	[tilespmem:$0x8080] =	vst v63  }
0x64: {  	_ =	swait.ge [sflag:s24], $0x8000  }
0x65: {  	p0 =	sne.s32 s6, $0x1;
	[sflag:s24] =	ssyncset.done $0x0  }
.Ltmp0:
0x66: {  	[sflag:s24] =	ssyncadd.s32 $0xFFFF8000;
	(pc) =	sbr.rel @p0 .LBB2_1-.Ltmp0, $4  }
0x67: {  	[hbm4b:s5+s2] =	stream.linear.scatter [tilespmem:s8], [sflag:$0x2], $0x8000, $0x38;
	[tilespmem:$0x8080] =	vst v63  }
0x68: {  	_ =	swait.ge [sflag:s7], $0x8000  }
0x69: {  	[sflag:s7] =	ssyncset.done $0x0  }
0x6a: {  	s6 =	sadd.s32 $0xFFFFFFFF, s6;
	[sflag:s7] =	ssyncadd.s32 $0xFFFF8000  }
0x6b: {  	_ =	sfence.sel $0x180000  }
0x6c: {  	[bflag:$0x0] =	sbarrier.arrive $0xFFFF  }
0x6d: {  	p0 =	sne.s32 s1, $0x0;
	_ =	strace $0x9000004A  }
0x6e: {  	s0 =	sadd.s32 @!p0 $0x100000, s0;
	[bflag:$0x2] =	sbarrier.arrive $0xFFFF  }
0x6f: {  	[sflag:s0] =	ssyncadd.tile.s32 @!p0 $0x1;
	_ =	shalt  }
.Lfunc_end2:
_tile_overlayer_lowered:
.L_overlay_start_2:
0x70: {  	(tag) =	ssettag $0x2  }
0x71: {  	s0 =	rddreg [dreg:$0x0];
	s2 =	stileid.u32  }
0x72: {  	s1 =	rddreg [dreg:$0x1];
	p0 =	sne.s32 s2, $0x0  }
0x73: {  	s3 =	rddreg [dreg:$0x2];
	[bflag:$0x3] =	sbarrier.arrive $0xFFFF;
	s2 =	simm.s32 @!p0 $0x1C02  }
0x74: {  	[timem:s3], [sflag:s2] =	dma.local @!p0 [hbm:s0], s1  }
0x75: {  	s0 =	simm.s32 @!p0 $0x2  }
0x76: {  	_ =	swait.ge @!p0 [sflag:s0], s1  }
0x77: {  	s1 =	ssub.s32 @!p0 $0x0, s1;
	[sflag:s0] =	ssyncset.done @!p0 $0x0  }
0x78: {  	[sflag:s0] =	ssyncadd.s32 @!p0 s1  }
0x79: {  	[bflag:$0x3] =	sbarrier.arrive $0xFFFF  }
0x7a: {  	_ =	shalt  }

// kernel: kernel.17.cloned.1.call-start
scs
__scs_entry_jumppad:
0x0: {  	(pc) =	sbr.rel $0x88, $3  }
0x1: {  	(tag) =	ssettag $0x0;
	lr =	simm.s32 $0x1  }
0x2: {  	[smem:$0x3F7F] =	sst lr;
	_ =	strace $0xD0000000  }
0x3: {  	_ = 	snop  }
0x4: {  	_ = 	snop  }
0x5: {  	_ = 	snop  }
0x6: {  	_ = 	snop  }
0x7: {  	_ = 	snop  }
__scs_overlays_trampoline_lowered:
0x8: {  	[smem:$0x3F8E] =	sst s0  }
0x9: {  	[smem:$0x3F8F] =	sst s1  }
0xa: {  	[smem:$0x3F90] =	sst s2  }
0xb: {  	[smem:$0x3F91] =	sst s3  }
0xc: {  	[smem:$0x3F92] =	sst s4  }
0xd: {  	[smem:$0x3F93] =	sst s5  }
0xe: {  	[smem:$0x3F94] =	sst s6  }
0xf: {  	[smem:$0x3F95] =	sst s7  }
0x10: {  	[smem:$0x3F96] =	sst s8  }
0x11: {  	[smem:$0x3F97] =	sst s9;
	s0 =	simm.s32 @!p0 $0x0  }
0x12: {  	s1 =	sld [smem:$0x3F7D];
	s0 =	simm.s32 @p0 $0x1  }
0x13: {  	[smem:$0x3F98] =	sst s0;
	s0 =	simm.s32 @!p1 $0x0  }
0x14: {  	s2 =	sld [smem:$0x3F7C];
	s0 =	simm.s32 @p1 $0x1  }
0x15: {  	[smem:$0x3F99] =	sst s0;
	s0 =	simm.s32 @!p2 $0x0  }
0x16: {  	s3 =	sld [smem:$0x3FDB];
	s0 =	simm.s32 @p2 $0x1  }
0x17: {  	s4 =	simm.s32 $0x1BF5;
	[smem:$0x3F9B] =	sst s0  }
0x18: {  	s0 =	sld [smem:$0x3F7E];
	_ =	swait.ge [sflag:s4], $0x0  }
0x19: {  	s7 =	sld [smem:$0x3F7F]  }
0x1a: {  	s8 =	sadd.s32 $0xFFFFE003, lr  }
0x1b: {  	s9 =	sadd.s32 $0xFFFFFEF7, lr;
	s5 =	simm.s32 $0xFFFFFFFF;
	p2 =	slt.u32 s8, $0xFFFFF086  }
0x1c: {  	p1 =	slt.u32 s9, $0xF7A;
	s5 =	simm.s32 @!p2 $0x0  }
0x1d: {  	s5 =	simm.s32 @p1 $0x1;
	p0 =	seq.s32 s7, s2  }
0x1e: {  	s7 =	smul.u32 @!p0 $0xF7A, s2;
	p2 =	seq.s32 @!p0 s5, $0x0  }
0x1f: {  	s9 =	smul.u32 $0xF7A, s1;
	s8 =	simm.s32 @!p0 $0x1BF5;
	p2 =	por !p2, p0  }
0x20: {  	[sflag:s8] =	ssyncset.s32 @!p0 $0xFFFFF086;
	s6 =	sadd.s32 @!p0 s3, s7;
	s7 =	simm.s32 @!p0 $0x108  }
0x21: {  	s3 =	sadd.s32 s3, s9;
	s6 =	sadd.s32 @!p0 $0x88, s6;
	s7 =	simm.s32 @p2 $0x1082  }
0x22: {  	[simem:s7], [sflag:s8] =	dma.local @!p0 [hbm:s6], $0xF7A  }
0x23: {  	s9 =	sor.u32 $0xD0000000, s2;
	s6 =	simm.s32 $0x108;
	_ =	swait.ge @!p0 [sflag:s8], $0x0  }
0x24: {  	s3 =	sadd.s32 $0x88, s3;
	s6 =	simm.s32 @!p1 $0x1082;
	[sflag:s4] =	ssyncset.s32 $0xFFFFF086  }
0x25: {  	[simem:s6], [sflag:s4] =	dma.local [hbm:s3], $0xF7A  }
0x26: {  	[smem:$0x3F7F] =	sst s1;
	(tag) =	ssettag s2;
	_ =	strace s9  }
0x27: {  	s1 =	sld [smem:$0x3F8F]  }
0x28: {  	s2 =	sld [smem:$0x3F90]  }
0x29: {  	s4 =	sld [smem:$0x3F92]  }
0x2a: {  	p0 =	seq.s32 s5, $0x0;
	s5 =	sld [smem:$0x3F93]  }
0x2b: {  	s6 =	sld [smem:$0x3F94]  }
0x2c: {  	s7 =	sld [smem:$0x3F95]  }
0x2d: {  	s3 =	simm.s32 $0x108;
	s8 =	sld [smem:$0x3F96]  }
0x2e: {  	s3 =	simm.s32 @!p0 $0x1082;
	s9 =	sld [smem:$0x3F97]  }
0x2f: {  	lr =	sadd.s32 s0, s3;
	s0 =	sld [smem:$0x3F8E]  }
0x30: {  	s3 =	sld [smem:$0x3F91]  }
0x31: {  	[smem:$0x3F9A] =	sst s10  }
0x32: {  	s10 =	sld [smem:$0x3F98];
	_ =	sdelay $0x3  }
0x33: {  	p0 =	seq.s32 s10, $0x1;
	s10 =	sld [smem:$0x3F9A];
	_ =	sdelay $0x3  }
0x34: {  	[smem:$0x3F9A] =	sst s10  }
0x35: {  	s10 =	sld [smem:$0x3F99];
	_ =	sdelay $0x3  }
0x36: {  	p1 =	seq.s32 s10, $0x1;
	s10 =	sld [smem:$0x3F9A];
	_ =	sdelay $0x3  }
0x37: {  	[smem:$0x3F9A] =	sst s10  }
0x38: {  	s10 =	sld [smem:$0x3F9B]  }
0x39: {  	_ = 	snop;
	(pc) =	sbr.ind lr, $3  }
0x3a: {  	_ = 	snop  }
0x3b: {  	_ = 	snop  }
0x3c: {  	p2 =	seq.s32 s10, $0x1;
	s10 =	sld [smem:$0x3F9A]  }
0x3d: {  	_ =	shalt  }
0x3e: {  	_ =	shalt  }
0x3f: {  	_ =	shalt  }
0x40: {  	_ =	shalt  }
0x41: {  	_ =	shalt  }
0x42: {  	_ =	shalt  }
0x43: {  	_ =	shalt  }
0x44: {  	_ =	shalt  }
0x45: {  	_ =	shalt  }
0x46: {  	_ =	shalt  }
0x47: {  	_ =	shalt  }
0x48: {  	_ =	shalt  }
0x49: {  	_ =	shalt  }
0x4a: {  	_ =	shalt  }
0x4b: {  	_ =	shalt  }
0x4c: {  	_ =	shalt  }
0x4d: {  	_ =	shalt  }
0x4e: {  	_ =	shalt  }
0x4f: {  	_ =	shalt  }
0x50: {  	_ =	shalt  }
0x51: {  	_ =	shalt  }
0x52: {  	_ =	shalt  }
0x53: {  	_ =	shalt  }
0x54: {  	_ =	shalt  }
0x55: {  	_ =	shalt  }
0x56: {  	_ =	shalt  }
0x57: {  	_ =	shalt  }
0x58: {  	_ =	shalt  }
0x59: {  	_ =	shalt  }
0x5a: {  	_ =	shalt  }
0x5b: {  	_ =	shalt  }
0x5c: {  	_ =	shalt  }
0x5d: {  	_ =	shalt  }
0x5e: {  	_ =	shalt  }
0x5f: {  	_ =	shalt  }
0x60: {  	_ =	shalt  }
0x61: {  	_ =	shalt  }
0x62: {  	_ =	shalt  }
0x63: {  	_ =	shalt  }
0x64: {  	_ =	shalt  }
0x65: {  	_ =	shalt  }
0x66: {  	_ =	shalt  }
0x67: {  	_ =	shalt  }
0x68: {  	_ =	shalt  }
0x69: {  	_ =	shalt  }
0x6a: {  	_ =	shalt  }
0x6b: {  	_ =	shalt  }
0x6c: {  	_ =	shalt  }
0x6d: {  	_ =	shalt  }
0x6e: {  	_ =	shalt  }
0x6f: {  	_ =	shalt  }
0x70: {  	_ =	shalt  }
0x71: {  	_ =	shalt  }
0x72: {  	_ =	shalt  }
0x73: {  	_ =	shalt  }
0x74: {  	_ =	shalt  }
0x75: {  	_ =	shalt  }
0x76: {  	_ =	shalt  }
0x77: {  	_ =	shalt  }
0x78: {  	_ =	shalt  }
0x79: {  	_ =	shalt  }
0x7a: {  	_ =	shalt  }
0x7b: {  	_ =	shalt  }
0x7c: {  	_ =	shalt  }
0x7d: {  	_ =	shalt  }
0x7e: {  	_ =	shalt  }
0x7f: {  	_ =	shalt  }
0x80: {  	_ =	shalt  }
0x81: {  	_ =	shalt  }
0x82: {  	_ =	shalt  }
0x83: {  	_ =	shalt  }
0x84: {  	_ =	shalt  }
0x85: {  	_ =	shalt  }
0x86: {  	_ =	shalt  }
0x87: {  	_ =	shalt  }
.Lfunc_end0:
.L_simem_size_0:
called_computation.2_lowered:
.L_overlay_start_0:
0x88: {  	s2 =	sld [smem:$0x3FD9]  }
0x89: {  	s3 =	sld [smem:$0x3FFE];
	_ =	sdelay $0x1  }
0x8a: {  	s1 =	srdreg.scid  }
0x8b: {  	s0 =	sand.u32 $0x1, s1  }
0x8c: {  	s17 =	sshll.u32 s0, $0xA;
	s2 =	sadd.s32 s3, s2  }
0x8d: {  	s2 =	sadd.s32 s2, s17  }
0x8e: {  	[smem:$0x3FA6] =	sst s2  }
0x8f: {  	_ = 	snop  }
0x90: {  	(tm) =	ssettm $0x1  }
0x91: {  	s18 =	sld [smem:$0x3FFB];
	_ =	sdelay $0x3  }
0x92: {  	_ =	strace s18  }
0x93: {  	s2 =	sld [smem:$0x3FFC];
	_ =	sdelay $0x3  }
0x94: {  	_ =	strace s2  }
0x95: {  	s2 =	sld [smem:$0x3FFD];
	_ =	sdelay $0x3  }
0x96: {  	_ =	strace s2  }
0x97: {  	_ =	strace $0x8FFFFFFF  }
0x98: {  	s19 =	sld [smem:$0x3FDB];
	_ =	sdelay $0x1  }
0x99: {  	s20 =	simm.s32 $_scs_section_size  }
0x9a: {  	s4 =	simm.s32 $_size__tile_overlayer_lowered;
	s5 =	simm.s32 $_tile_overlayer_lowered  }
0x9b: {  	s6 =	simm.s32 $0x1BFF;
	s21 =	sshll.u32 s5, $0x1;
	s3 =	sadd.s32 s20, s19  }
0x9c: {  	s22 =	simm.s32 $0x0;
	s4 =	sshll.u32 s4, $0x1;
	s5 =	sadd.s32 s21, s3  }
0x9d: {  	[timem:s22], [sflag:s6] =	dma.local [hbm:s5], s4  }
0x9e: {  	_ =	swait.ge [sflag:s6], s4  }
0x9f: {  	s4 =	ssub.s32 $0x0, s4;
	[sflag:s6] =	ssyncset.done $0x0  }
0xa0: {  	[sflag:s6] =	ssyncadd.s32 s4;
	_ =	sdelay $0x1  }
0xa1: {  	s23 =	simm.s32 $0x1B8B  }
0xa2: {  	_ =	swait.ge [sflag:s23], $0x1  }
0xa3: {  	[sflag:s23] =	ssyncset.done $0x0  }
0xa4: {  	[sflag:s23] =	ssyncadd.s32 $0xFFFFFFFF  }
0xa5: {  	s4 =	sld [smem:$0x0]  }
0xa6: {  	s5 =	sand.u32 $0xFFFFFFFE, s1  }
0xa7: {  	p0 =	sne.s32 s1, s5  }
0xa8: {  	s5 =	sshll.u32 @p0 s5, $0xE  }
0xa9: {  	s5 =	sadd.s32 @p0 $0x11B8D, s5;
	s6 =	sshll.u32 @p0 s4, $0x11  }
0xaa: {  	s5 =	sor.u32 @p0 s6, s5  }
0xab: {  	[sflag:s5] =	ssyncadd.remote.s32 @p0 $0x1;
	_ =	sdelay $0x1  }
0xac: {  	s5 =	simm.s32 @p0 $0x1B8D  }
0xad: {  	_ =	swait.eq @p0 [sflag:s5], $0x1  }
0xae: {  	[sflag:s5] =	ssyncadd.s32 @p0 $0xFFFFFFFF  }
0xaf: {  	s6 =	sshll.u32 @!p0 s1, $0xE  }
0xb0: {  	s6 =	sor.u32 @!p0 $0x4000, s6;
	s5 =	simm.s32 @!p0 $0x1B8D  }
0xb1: {  	s4 =	sshll.u32 @!p0 s4, $0x11;
	s6 =	sadd.s32 @!p0 $0x11B8D, s6;
	_ =	swait.eq @!p0 [sflag:s5], $0x1  }
0xb2: {  	s4 =	sor.u32 @!p0 s4, s6;
	[sflag:s5] =	ssyncadd.s32 @!p0 $0xFFFFFFFF  }
0xb3: {  	s25 =	simm.s32 $0x1B8E;
	s24 =	sld [smem:$0x3FFE];
	[sflag:s4] =	ssyncadd.remote.s32 @!p0 $0x1  }
0xb4: {  	s26 =	simm.s32 $execute0_lowered;
	[smem:$0x3FD2] =	sst s25  }
0xb5: {  	s5 =	sshll.u32 s26, $0x1;
	_ =	strace $0x8000004C;
	[dreg:$0x1] =	wrdreg $0xFFFFFFFF  }
0xb6: {  	s28 =	simm.s32 $_size_execute0_lowered;
	s3 =	sadd.s32 s3, s5;
	[dreg:$0x0] =	wrdreg $0x0  }
0xb7: {  	s5 =	sshll.u32 s28, $0x1;
	[dreg:$0x2] =	wrdreg s3  }
0xb8: {  	[dreg:$0x3] =	wrdreg s5  }
0xb9: {  	[dreg:$0x4] =	wrdreg $0xC0  }
0xba: {  	_ =	task [dreg:s22], $0x5FFFF  }
0xbb: {  	[dreg:$0x1] =	wrdreg $0xFFFFFFFF  }
0xbc: {  	[dreg:$0x0] =	wrdreg $0x60  }
0xbd: {  	[dreg:$0x2] =	wrdreg s24  }
0xbe: {  	[dreg:$0x3] =	wrdreg $0xA  }
0xbf: {  	_ =	task.clear_ibuf [dreg:s22], $0x4FFFF;
	_ =	strace $0x9000004C  }
0xc0: {  	s29 =	simm.s32 $0xA;
	_ =	strace $0x8000004E  }
0xc1: {  	_ =	swait.ge [sflag:s29], $0x1  }
0xc2: {  	[sflag:s29] =	ssyncadd.s32 $0xFFFFFFFF  }
0xc3: {  	_ =	strace $0x9000004E  }
0xc4: {  	_ =	sfence  }
0xc5: {  	s30 =	sld [smem:$0x0];
	_ =	sdelay $0x2  }
0xc6: {  	s31 =	sshll.u32 s1, $0xD;
	s1 =	sshrl.u32 s1, $0x2  }
0xc7: {  	s4 =	sand.u32 $0x4000, s31;
	s1 =	sadd.s32 s1, s30  }
0xc8: {  	s0 =	sor.u32 s4, s0;
	s1 =	sshll.u32 s1, $0x11  }
0xc9: {  	s0 =	sor.u32 s1, s0  }
0xca: {  	s0 =	sadd.s32 $0x8F2B, s0  }
0xcb: {  	[sflag:s0] =	ssyncadd.remote.s32 $0x1  }
0xcc: {  	_ =	sfence.sel $0xFFFF  }
0xcd: {  	[dreg:$0x0] =	wrdreg $0xFFFFFFFF;
	(pc) =	sbr.abs _section_cstart, $3  }
0xce: {  	[dreg:$0x1] =	wrdreg $0xFFFFFFFF  }
0xcf: {  	_ =	task.clear_ibuf [dreg:s22], $0x2FFFF;
	_ =	strace $0x9FFFFFFF  }
0xd0: {  	(tm) =	ssettm $0x7FFFFFFF  }
0xd1: {  	_ =	shalt  }
tec
execute0_lowered:
.L_overlay_start_1:
0x0: {  	(tag) =	ssettag $0x1  }
0x1: {  	s4 =	rddreg [dreg:$0x0]  }
0x2: {  	s0 =	rddreg [dreg:$0x1];
	s2 =	simm.s32 $0x0  }
0x3: {  	s3 =	srdreg.scid;
	s1 =	stileid.u32;
	s9 =	simm.s32 $0x880  }
0x4: {  	s10 =	simm.s32 $0x1080;
	s11 =	simm.s32 $0x1880;
	s12 =	simm.s32 $0x2080  }
0x5: {  	s13 =	simm.s32 $0x2880;
	s14 =	simm.s32 $0x3080;
	s15 =	simm.s32 $0x3880  }
0x6: {  	s16 =	simm.s32 $0x4080;
	s17 =	simm.s32 $0x4880;
	s18 =	simm.s32 $0x5080  }
0x7: {  	s19 =	simm.s32 $0x5880;
	s20 =	simm.s32 $0x6080;
	s21 =	simm.s32 $0x6880  }
0x8: {  	s22 =	simm.s32 $0x7080;
	s23 =	simm.s32 $0x7880;
	s24 =	simm.s32 $0x1  }
0x9: {  	[smem:$0x7FF] =	sst s2;
	s5 =	sand.u32 $0x1, s3;
	s6 =	sshll.u32 s1, $0x1  }
0xa: {  	s3 =	sadd.s32 $0x52000, s4;
	_ =	strace $0x8000004D;
	s6 =	sor.u32 s5, s6  }
0xb: {  	s5 =	ssub.s32 $0x2, s5;
	s7 =	sshll.u32 s6, $0x4;
	s6 =	sshll.u32 s6, $0xC  }
0xc: {  	v2 =	vlaneseq.u32;
	s8 =	sshrl.u32 s5, $0x1;
	s7 =	sadd.s32 s7, s4;
	s6 =	sadd.s32 s6, s4  }
0xd: {  	vm0 =	vmmov $0xffff;
	v1 =	vshrl.u32 v2, $0x3;
	s8 =	ssub.s32 s5, s8;
	s4 =	sadd.s32 $0xD2000, s7;
	s5 =	sadd.s32 $0x32000, s6  }
0xe: {  	v0 =	vand.u32 $0x7, v2;
	v2 =	vor.u32 $0x8, v2;
	v1 =	vmul.u32 $0x8, v1;
	s6 =	smax.u32 s8, $0x1;
	s7 =	simm.s32 $0x2;
	s8 =	simm.s32 $0x80  }
.LBB2_1:
0xf: {  	[tilespmem:s2], [sflag:$0x2] =	stream.linear.gather [hbm4b:s4+s2], $0x80, $0x38;
	[tilespmem:$0x8080] =	vst v63  }
0x10: {  	_ =	swait.ge [sflag:s7], $0x80  }
0x11: {  	[sflag:s7] =	ssyncset.done $0x0  }
0x12: {  	[sflag:s7] =	ssyncadd.s32 $0xFFFFFF80  }
0x13: {  	v3 =	vld [tilespmem:$0x0];
	_ =	sdelay $0x4  }
0x14: {  	v4 =	vshll.u32 v3, $0x1  }
0x15: {  	v3 =	vand.u32 $0x7, v3;
	v4 =	vand.u32 $0xFFFFFFF0, v4  }
0x16: {  	v3 =	vor.u32 v3, v4  }
0x17: {  	v4 =	vperm.xlane v3, v0;
	_ =	sdelay $0x1  }
0x18: {  	v3 =	vperm.xlane v3, v2;
	v4 =	vadd.s32 v1, v4;
	_ =	sdelay $0x1  }
0x19: {  	v3 =	vadd.s32 v1, v3;
	_ =	sdelay $0x2  }
0x1a: {  	[tilespmem:s8], [sflag:$0x1] =	stream.indirect_vreg.gather [hbm4b:s3+s2], $0x80, v4, vm0, $0xb8;
	[tilespmem:$0x8080] =	vst v63  }
0x1b: {  	_ = 	snop  }
0x1c: {  	[tilespmem:s9], [sflag:$0x1] =	stream.indirect_vreg.gather [hbm4b:s3+s2], $0x80, v3, vm0, $0xb8;
	[tilespmem:$0x8080] =	vst v63  }
0x1d: {  	v3 =	vld [tilespmem:$0x10];
	_ =	sdelay $0x4  }
0x1e: {  	v57 =	vshll.u32 v3, $0x1  }
0x1f: {  	v3 =	vand.u32 $0x7, v3;
	v4 =	vand.u32 $0xFFFFFFF0, v57  }
0x20: {  	v3 =	vor.u32 v3, v4  }
0x21: {  	v4 =	vperm.xlane v3, v0;
	_ =	sdelay $0x1  }
0x22: {  	v3 =	vperm.xlane v3, v2;
	v4 =	vadd.s32 v1, v4;
	_ =	sdelay $0x1  }
0x23: {  	v3 =	vadd.s32 v1, v3;
	_ =	sdelay $0x2  }
0x24: {  	[tilespmem:s10], [sflag:$0x1] =	stream.indirect_vreg.gather [hbm4b:s3+s2], $0x80, v4, vm0, $0xb8;
	[tilespmem:$0x8080] =	vst v63  }
0x25: {  	_ = 	snop  }
0x26: {  	[tilespmem:s11], [sflag:$0x1] =	stream.indirect_vreg.gather [hbm4b:s3+s2], $0x80, v3, vm0, $0xb8;
	[tilespmem:$0x8080] =	vst v63  }
0x27: {  	v3 =	vld [tilespmem:$0x20];
	_ =	sdelay $0x4  }
0x28: {  	v58 =	vshll.u32 v3, $0x1  }
0x29: {  	v3 =	vand.u32 $0x7, v3;
	v4 =	vand.u32 $0xFFFFFFF0, v58  }
0x2a: {  	v3 =	vor.u32 v3, v4  }
0x2b: {  	v4 =	vperm.xlane v3, v0;
	_ =	sdelay $0x1  }
0x2c: {  	v3 =	vperm.xlane v3, v2;
	v4 =	vadd.s32 v1, v4;
	_ =	sdelay $0x1  }
0x2d: {  	v3 =	vadd.s32 v1, v3;
	_ =	sdelay $0x2  }
0x2e: {  	[tilespmem:s12], [sflag:$0x1] =	stream.indirect_vreg.gather [hbm4b:s3+s2], $0x80, v4, vm0, $0xb8;
	[tilespmem:$0x8080] =	vst v63  }
0x2f: {  	_ = 	snop  }
0x30: {  	[tilespmem:s13], [sflag:$0x1] =	stream.indirect_vreg.gather [hbm4b:s3+s2], $0x80, v3, vm0, $0xb8;
	[tilespmem:$0x8080] =	vst v63  }
0x31: {  	v3 =	vld [tilespmem:$0x30];
	_ =	sdelay $0x4  }
0x32: {  	v59 =	vshll.u32 v3, $0x1  }
0x33: {  	v3 =	vand.u32 $0x7, v3;
	v4 =	vand.u32 $0xFFFFFFF0, v59  }
0x34: {  	v3 =	vor.u32 v3, v4  }
0x35: {  	v4 =	vperm.xlane v3, v0;
	_ =	sdelay $0x1  }
0x36: {  	v3 =	vperm.xlane v3, v2;
	v4 =	vadd.s32 v1, v4;
	_ =	sdelay $0x1  }
0x37: {  	v3 =	vadd.s32 v1, v3;
	_ =	sdelay $0x2  }
0x38: {  	[tilespmem:s14], [sflag:$0x1] =	stream.indirect_vreg.gather [hbm4b:s3+s2], $0x80, v4, vm0, $0xb8;
	[tilespmem:$0x8080] =	vst v63  }
0x39: {  	_ = 	snop  }
0x3a: {  	[tilespmem:s15], [sflag:$0x1] =	stream.indirect_vreg.gather [hbm4b:s3+s2], $0x80, v3, vm0, $0xb8;
	[tilespmem:$0x8080] =	vst v63  }
0x3b: {  	v3 =	vld [tilespmem:$0x40];
	_ =	sdelay $0x4  }
0x3c: {  	v60 =	vshll.u32 v3, $0x1  }
0x3d: {  	v3 =	vand.u32 $0x7, v3;
	v4 =	vand.u32 $0xFFFFFFF0, v60  }
0x3e: {  	v3 =	vor.u32 v3, v4  }
0x3f: {  	v4 =	vperm.xlane v3, v0;
	_ =	sdelay $0x1  }
0x40: {  	v3 =	vperm.xlane v3, v2;
	v4 =	vadd.s32 v1, v4;
	_ =	sdelay $0x1  }
0x41: {  	v3 =	vadd.s32 v1, v3;
	_ =	sdelay $0x2  }
0x42: {  	[tilespmem:s16], [sflag:$0x1] =	stream.indirect_vreg.gather [hbm4b:s3+s2], $0x80, v4, vm0, $0xb8;
	[tilespmem:$0x8080] =	vst v63  }
0x43: {  	_ = 	snop  }
0x44: {  	[tilespmem:s17], [sflag:$0x1] =	stream.indirect_vreg.gather [hbm4b:s3+s2], $0x80, v3, vm0, $0xb8;
	[tilespmem:$0x8080] =	vst v63  }
0x45: {  	v3 =	vld [tilespmem:$0x50];
	_ =	sdelay $0x4  }
0x46: {  	v61 =	vshll.u32 v3, $0x1  }
0x47: {  	v3 =	vand.u32 $0x7, v3;
	v4 =	vand.u32 $0xFFFFFFF0, v61  }
0x48: {  	v3 =	vor.u32 v3, v4  }
0x49: {  	v4 =	vperm.xlane v3, v0;
	_ =	sdelay $0x1  }
0x4a: {  	v3 =	vperm.xlane v3, v2;
	v4 =	vadd.s32 v1, v4;
	_ =	sdelay $0x1  }
0x4b: {  	v3 =	vadd.s32 v1, v3;
	_ =	sdelay $0x2  }
0x4c: {  	[tilespmem:s18], [sflag:$0x1] =	stream.indirect_vreg.gather [hbm4b:s3+s2], $0x80, v4, vm0, $0xb8;
	[tilespmem:$0x8080] =	vst v63  }
0x4d: {  	_ = 	snop  }
0x4e: {  	[tilespmem:s19], [sflag:$0x1] =	stream.indirect_vreg.gather [hbm4b:s3+s2], $0x80, v3, vm0, $0xb8;
	[tilespmem:$0x8080] =	vst v63  }
0x4f: {  	v3 =	vld [tilespmem:$0x60];
	_ =	sdelay $0x4  }
0x50: {  	v62 =	vshll.u32 v3, $0x1  }
0x51: {  	v3 =	vand.u32 $0x7, v3;
	v4 =	vand.u32 $0xFFFFFFF0, v62  }
0x52: {  	v3 =	vor.u32 v3, v4  }
0x53: {  	v4 =	vperm.xlane v3, v0;
	_ =	sdelay $0x1  }
0x54: {  	v3 =	vperm.xlane v3, v2;
	v4 =	vadd.s32 v1, v4;
	_ =	sdelay $0x1  }
0x55: {  	v3 =	vadd.s32 v1, v3;
	_ =	sdelay $0x2  }
0x56: {  	[tilespmem:s20], [sflag:$0x1] =	stream.indirect_vreg.gather [hbm4b:s3+s2], $0x80, v4, vm0, $0xb8;
	[tilespmem:$0x8080] =	vst v63  }
0x57: {  	_ = 	snop  }
0x58: {  	[tilespmem:s21], [sflag:$0x1] =	stream.indirect_vreg.gather [hbm4b:s3+s2], $0x80, v3, vm0, $0xb8;
	[tilespmem:$0x8080] =	vst v63  }
0x59: {  	v3 =	vld [tilespmem:$0x70];
	_ =	sdelay $0x4  }
0x5a: {  	v63 =	vshll.u32 v3, $0x1  }
0x5b: {  	v3 =	vand.u32 $0x7, v3;
	v4 =	vand.u32 $0xFFFFFFF0, v63  }
0x5c: {  	v3 =	vor.u32 v3, v4  }
0x5d: {  	v4 =	vperm.xlane v3, v0;
	_ =	sdelay $0x1  }
0x5e: {  	v3 =	vperm.xlane v3, v2;
	v4 =	vadd.s32 v1, v4;
	_ =	sdelay $0x1  }
0x5f: {  	v3 =	vadd.s32 v1, v3;
	_ =	sdelay $0x2  }
0x60: {  	[tilespmem:s22], [sflag:$0x1] =	stream.indirect_vreg.gather [hbm4b:s3+s2], $0x80, v4, vm0, $0xb8;
	[tilespmem:$0x8080] =	vst v63  }
0x61: {  	_ = 	snop  }
0x62: {  	[tilespmem:s23], [sflag:$0x1] =	stream.indirect_vreg.gather [hbm4b:s3+s2], $0x80, v3, vm0, $0xb8;
	[tilespmem:$0x8080] =	vst v63  }
0x63: {  	_ =	swait.ge [sflag:s24], $0x8000  }
0x64: {  	p0 =	sne.s32 s6, $0x1;
	[sflag:s24] =	ssyncset.done $0x0  }
.Ltmp0:
0x65: {  	[sflag:s24] =	ssyncadd.s32 $0xFFFF8000;
	(pc) =	sbr.rel @p0 .LBB2_1-.Ltmp0, $4  }
0x66: {  	[hbm4b:s5+s2] =	stream.linear.scatter [tilespmem:s8], [sflag:$0x2], $0x8000, $0x38;
	[tilespmem:$0x8080] =	vst v63  }
0x67: {  	_ =	swait.ge [sflag:s7], $0x8000  }
0x68: {  	[sflag:s7] =	ssyncset.done $0x0  }
0x69: {  	s6 =	sadd.s32 $0xFFFFFFFF, s6;
	[sflag:s7] =	ssyncadd.s32 $0xFFFF8000  }
0x6a: {  	_ =	sfence.sel $0x180000  }
0x6b: {  	[bflag:$0x0] =	sbarrier.arrive $0xFFFF  }
0x6c: {  	p0 =	sne.s32 s1, $0x0;
	_ =	strace $0x9000004D  }
0x6d: {  	s0 =	sadd.s32 @!p0 $0x100000, s0;
	[bflag:$0x2] =	sbarrier.arrive $0xFFFF  }
0x6e: {  	[sflag:s0] =	ssyncadd.tile.s32 @!p0 $0x1;
	_ =	shalt  }
.Lfunc_end2:
_tile_overlayer_lowered:
.L_overlay_start_2:
0x6f: {  	(tag) =	ssettag $0x2  }
0x70: {  	s0 =	rddreg [dreg:$0x0];
	s2 =	stileid.u32  }
0x71: {  	s1 =	rddreg [dreg:$0x1];
	p0 =	sne.s32 s2, $0x0  }
0x72: {  	s3 =	rddreg [dreg:$0x2];
	[bflag:$0x3] =	sbarrier.arrive $0xFFFF;
	s2 =	simm.s32 @!p0 $0x1C02  }
0x73: {  	[timem:s3], [sflag:s2] =	dma.local @!p0 [hbm:s0], s1  }
0x74: {  	s0 =	simm.s32 @!p0 $0x2  }
0x75: {  	_ =	swait.ge @!p0 [sflag:s0], s1  }
0x76: {  	s1 =	ssub.s32 @!p0 $0x0, s1;
	[sflag:s0] =	ssyncset.done @!p0 $0x0  }
0x77: {  	[sflag:s0] =	ssyncadd.s32 @!p0 s1  }
0x78: {  	[bflag:$0x3] =	sbarrier.arrive $0xFFFF  }
0x79: {  	_ =	shalt  }

// kernel: kernel.20.cloned.1.call-start
scs
__scs_entry_jumppad:
0x0: {  	(pc) =	sbr.rel $0x88, $3  }
0x1: {  	(tag) =	ssettag $0x0;
	lr =	simm.s32 $0x1  }
0x2: {  	[smem:$0x3F7F] =	sst lr;
	_ =	strace $0xD0000000  }
0x3: {  	_ = 	snop  }
0x4: {  	_ = 	snop  }
0x5: {  	_ = 	snop  }
0x6: {  	_ = 	snop  }
0x7: {  	_ = 	snop  }
__scs_overlays_trampoline_lowered:
0x8: {  	[smem:$0x3F8E] =	sst s0  }
0x9: {  	[smem:$0x3F8F] =	sst s1  }
0xa: {  	[smem:$0x3F90] =	sst s2  }
0xb: {  	[smem:$0x3F91] =	sst s3  }
0xc: {  	[smem:$0x3F92] =	sst s4  }
0xd: {  	[smem:$0x3F93] =	sst s5  }
0xe: {  	[smem:$0x3F94] =	sst s6  }
0xf: {  	[smem:$0x3F95] =	sst s7  }
0x10: {  	[smem:$0x3F96] =	sst s8  }
0x11: {  	[smem:$0x3F97] =	sst s9;
	s0 =	simm.s32 @!p0 $0x0  }
0x12: {  	s1 =	sld [smem:$0x3F7D];
	s0 =	simm.s32 @p0 $0x1  }
0x13: {  	[smem:$0x3F98] =	sst s0;
	s0 =	simm.s32 @!p1 $0x0  }
0x14: {  	s2 =	sld [smem:$0x3F7C];
	s0 =	simm.s32 @p1 $0x1  }
0x15: {  	[smem:$0x3F99] =	sst s0;
	s0 =	simm.s32 @!p2 $0x0  }
0x16: {  	s3 =	sld [smem:$0x3FDB];
	s0 =	simm.s32 @p2 $0x1  }
0x17: {  	s4 =	simm.s32 $0x1BF5;
	[smem:$0x3F9B] =	sst s0  }
0x18: {  	s0 =	sld [smem:$0x3F7E];
	_ =	swait.ge [sflag:s4], $0x0  }
0x19: {  	s7 =	sld [smem:$0x3F7F]  }
0x1a: {  	s8 =	sadd.s32 $0xFFFFE003, lr  }
0x1b: {  	s9 =	sadd.s32 $0xFFFFFEF7, lr;
	s5 =	simm.s32 $0xFFFFFFFF;
	p2 =	slt.u32 s8, $0xFFFFF086  }
0x1c: {  	p1 =	slt.u32 s9, $0xF7A;
	s5 =	simm.s32 @!p2 $0x0  }
0x1d: {  	s5 =	simm.s32 @p1 $0x1;
	p0 =	seq.s32 s7, s2  }
0x1e: {  	s7 =	smul.u32 @!p0 $0xF7A, s2;
	p2 =	seq.s32 @!p0 s5, $0x0  }
0x1f: {  	s9 =	smul.u32 $0xF7A, s1;
	s8 =	simm.s32 @!p0 $0x1BF5;
	p2 =	por !p2, p0  }
0x20: {  	[sflag:s8] =	ssyncset.s32 @!p0 $0xFFFFF086;
	s6 =	sadd.s32 @!p0 s3, s7;
	s7 =	simm.s32 @!p0 $0x108  }
0x21: {  	s3 =	sadd.s32 s3, s9;
	s6 =	sadd.s32 @!p0 $0x88, s6;
	s7 =	simm.s32 @p2 $0x1082  }
0x22: {  	[simem:s7], [sflag:s8] =	dma.local @!p0 [hbm:s6], $0xF7A  }
0x23: {  	s9 =	sor.u32 $0xD0000000, s2;
	s6 =	simm.s32 $0x108;
	_ =	swait.ge @!p0 [sflag:s8], $0x0  }
0x24: {  	s3 =	sadd.s32 $0x88, s3;
	s6 =	simm.s32 @!p1 $0x1082;
	[sflag:s4] =	ssyncset.s32 $0xFFFFF086  }
0x25: {  	[simem:s6], [sflag:s4] =	dma.local [hbm:s3], $0xF7A  }
0x26: {  	[smem:$0x3F7F] =	sst s1;
	(tag) =	ssettag s2;
	_ =	strace s9  }
0x27: {  	s1 =	sld [smem:$0x3F8F]  }
0x28: {  	s2 =	sld [smem:$0x3F90]  }
0x29: {  	s4 =	sld [smem:$0x3F92]  }
0x2a: {  	p0 =	seq.s32 s5, $0x0;
	s5 =	sld [smem:$0x3F93]  }
0x2b: {  	s6 =	sld [smem:$0x3F94]  }
0x2c: {  	s7 =	sld [smem:$0x3F95]  }
0x2d: {  	s3 =	simm.s32 $0x108;
	s8 =	sld [smem:$0x3F96]  }
0x2e: {  	s3 =	simm.s32 @!p0 $0x1082;
	s9 =	sld [smem:$0x3F97]  }
0x2f: {  	lr =	sadd.s32 s0, s3;
	s0 =	sld [smem:$0x3F8E]  }
0x30: {  	s3 =	sld [smem:$0x3F91]  }
0x31: {  	[smem:$0x3F9A] =	sst s10  }
0x32: {  	s10 =	sld [smem:$0x3F98];
	_ =	sdelay $0x3  }
0x33: {  	p0 =	seq.s32 s10, $0x1;
	s10 =	sld [smem:$0x3F9A];
	_ =	sdelay $0x3  }
0x34: {  	[smem:$0x3F9A] =	sst s10  }
0x35: {  	s10 =	sld [smem:$0x3F99];
	_ =	sdelay $0x3  }
0x36: {  	p1 =	seq.s32 s10, $0x1;
	s10 =	sld [smem:$0x3F9A];
	_ =	sdelay $0x3  }
0x37: {  	[smem:$0x3F9A] =	sst s10  }
0x38: {  	s10 =	sld [smem:$0x3F9B]  }
0x39: {  	_ = 	snop;
	(pc) =	sbr.ind lr, $3  }
0x3a: {  	_ = 	snop  }
0x3b: {  	_ = 	snop  }
0x3c: {  	p2 =	seq.s32 s10, $0x1;
	s10 =	sld [smem:$0x3F9A]  }
0x3d: {  	_ =	shalt  }
0x3e: {  	_ =	shalt  }
0x3f: {  	_ =	shalt  }
0x40: {  	_ =	shalt  }
0x41: {  	_ =	shalt  }
0x42: {  	_ =	shalt  }
0x43: {  	_ =	shalt  }
0x44: {  	_ =	shalt  }
0x45: {  	_ =	shalt  }
0x46: {  	_ =	shalt  }
0x47: {  	_ =	shalt  }
0x48: {  	_ =	shalt  }
0x49: {  	_ =	shalt  }
0x4a: {  	_ =	shalt  }
0x4b: {  	_ =	shalt  }
0x4c: {  	_ =	shalt  }
0x4d: {  	_ =	shalt  }
0x4e: {  	_ =	shalt  }
0x4f: {  	_ =	shalt  }
0x50: {  	_ =	shalt  }
0x51: {  	_ =	shalt  }
0x52: {  	_ =	shalt  }
0x53: {  	_ =	shalt  }
0x54: {  	_ =	shalt  }
0x55: {  	_ =	shalt  }
0x56: {  	_ =	shalt  }
0x57: {  	_ =	shalt  }
0x58: {  	_ =	shalt  }
0x59: {  	_ =	shalt  }
0x5a: {  	_ =	shalt  }
0x5b: {  	_ =	shalt  }
0x5c: {  	_ =	shalt  }
0x5d: {  	_ =	shalt  }
0x5e: {  	_ =	shalt  }
0x5f: {  	_ =	shalt  }
0x60: {  	_ =	shalt  }
0x61: {  	_ =	shalt  }
0x62: {  	_ =	shalt  }
0x63: {  	_ =	shalt  }
0x64: {  	_ =	shalt  }
0x65: {  	_ =	shalt  }
0x66: {  	_ =	shalt  }
0x67: {  	_ =	shalt  }
0x68: {  	_ =	shalt  }
0x69: {  	_ =	shalt  }
0x6a: {  	_ =	shalt  }
0x6b: {  	_ =	shalt  }
0x6c: {  	_ =	shalt  }
0x6d: {  	_ =	shalt  }
0x6e: {  	_ =	shalt  }
0x6f: {  	_ =	shalt  }
0x70: {  	_ =	shalt  }
0x71: {  	_ =	shalt  }
0x72: {  	_ =	shalt  }
0x73: {  	_ =	shalt  }
0x74: {  	_ =	shalt  }
0x75: {  	_ =	shalt  }
0x76: {  	_ =	shalt  }
0x77: {  	_ =	shalt  }
0x78: {  	_ =	shalt  }
0x79: {  	_ =	shalt  }
0x7a: {  	_ =	shalt  }
0x7b: {  	_ =	shalt  }
0x7c: {  	_ =	shalt  }
0x7d: {  	_ =	shalt  }
0x7e: {  	_ =	shalt  }
0x7f: {  	_ =	shalt  }
0x80: {  	_ =	shalt  }
0x81: {  	_ =	shalt  }
0x82: {  	_ =	shalt  }
0x83: {  	_ =	shalt  }
0x84: {  	_ =	shalt  }
0x85: {  	_ =	shalt  }
0x86: {  	_ =	shalt  }
0x87: {  	_ =	shalt  }
.Lfunc_end0:
.L_simem_size_0:
called_computation.3_lowered:
.L_overlay_start_0:
0x88: {  	s2 =	sld [smem:$0x3FD9]  }
0x89: {  	s3 =	sld [smem:$0x3FFE];
	_ =	sdelay $0x1  }
0x8a: {  	s1 =	srdreg.scid  }
0x8b: {  	s0 =	sand.u32 $0x1, s1  }
0x8c: {  	s17 =	sshll.u32 s0, $0xA;
	s2 =	sadd.s32 s3, s2  }
0x8d: {  	s2 =	sadd.s32 s2, s17  }
0x8e: {  	[smem:$0x3FA6] =	sst s2  }
0x8f: {  	_ = 	snop  }
0x90: {  	s18 =	sld [smem:$0x3FD0];
	(tm) =	ssettm $0x1  }
0x91: {  	s19 =	sld [smem:$0x3FFB];
	_ =	sdelay $0x3  }
0x92: {  	_ =	strace s19  }
0x93: {  	s2 =	sld [smem:$0x3FFC];
	_ =	sdelay $0x3  }
0x94: {  	_ =	strace s2  }
0x95: {  	s2 =	sld [smem:$0x3FFD];
	_ =	sdelay $0x3  }
0x96: {  	_ =	strace s2  }
0x97: {  	_ =	strace $0x8FFFFFFF  }
0x98: {  	s20 =	sld [smem:$0x3FDB];
	_ =	sdelay $0x1  }
0x99: {  	s4 =	simm.s32 $_scs_section_size  }
0x9a: {  	s5 =	simm.s32 $_size__tile_overlayer_lowered;
	s6 =	simm.s32 $_tile_overlayer_lowered  }
0x9b: {  	s7 =	simm.s32 $0x1BFF;
	s21 =	sshll.u32 s6, $0x1;
	s4 =	sadd.s32 s4, s20  }
0x9c: {  	s22 =	simm.s32 $0x0;
	s5 =	sshll.u32 s5, $0x1;
	s6 =	sadd.s32 s21, s4  }
0x9d: {  	[timem:s22], [sflag:s7] =	dma.local [hbm:s6], s5  }
0x9e: {  	_ =	swait.ge [sflag:s7], s5  }
0x9f: {  	s5 =	ssub.s32 $0x0, s5;
	[sflag:s7] =	ssyncset.done $0x0  }
0xa0: {  	[sflag:s7] =	ssyncadd.s32 s5;
	_ =	sdelay $0x1  }
0xa1: {  	s23 =	simm.s32 $0x1B8B  }
0xa2: {  	_ =	swait.ge [sflag:s23], $0x1  }
0xa3: {  	[sflag:s23] =	ssyncset.done $0x0  }
0xa4: {  	[sflag:s23] =	ssyncadd.s32 $0xFFFFFFFF  }
0xa5: {  	s5 =	sld [smem:$0x0]  }
0xa6: {  	s6 =	sand.u32 $0xFFFFFFFE, s1  }
0xa7: {  	p0 =	sne.s32 s1, s6  }
0xa8: {  	s6 =	sshll.u32 @p0 s6, $0xE  }
0xa9: {  	s6 =	sadd.s32 @p0 $0x11B8D, s6;
	s7 =	sshll.u32 @p0 s5, $0x11  }
0xaa: {  	s6 =	sor.u32 @p0 s7, s6  }
0xab: {  	[sflag:s6] =	ssyncadd.remote.s32 @p0 $0x1;
	_ =	sdelay $0x1  }
0xac: {  	s6 =	simm.s32 @p0 $0x1B8D  }
0xad: {  	_ =	swait.eq @p0 [sflag:s6], $0x1  }
0xae: {  	[sflag:s6] =	ssyncadd.s32 @p0 $0xFFFFFFFF  }
0xaf: {  	s7 =	sshll.u32 @!p0 s1, $0xE  }
0xb0: {  	s7 =	sor.u32 @!p0 $0x4000, s7;
	s6 =	simm.s32 @!p0 $0x1B8D  }
0xb1: {  	s5 =	sshll.u32 @!p0 s5, $0x11;
	s7 =	sadd.s32 @!p0 $0x11B8D, s7;
	_ =	swait.eq @!p0 [sflag:s6], $0x1  }
0xb2: {  	s5 =	sor.u32 @!p0 s5, s7;
	[sflag:s6] =	ssyncadd.s32 @!p0 $0xFFFFFFFF  }
0xb3: {  	s25 =	simm.s32 $0x1B8E;
	s24 =	sld [smem:$0x3FFE];
	[sflag:s5] =	ssyncadd.remote.s32 @!p0 $0x1  }
0xb4: {  	s26 =	simm.s32 $execute0_lowered;
	[smem:$0x3FD2] =	sst s25  }
0xb5: {  	s6 =	sshll.u32 s26, $0x1;
	_ =	strace $0x8000004F;
	[dreg:$0x1] =	wrdreg $0xFFFFFFFF  }
0xb6: {  	s28 =	simm.s32 $_size_execute0_lowered;
	s4 =	sadd.s32 s4, s6;
	[dreg:$0x0] =	wrdreg $0x0  }
0xb7: {  	s6 =	sshll.u32 s28, $0x1;
	[dreg:$0x2] =	wrdreg s4  }
0xb8: {  	[dreg:$0x3] =	wrdreg s6  }
0xb9: {  	[dreg:$0x4] =	wrdreg $0xC0  }
0xba: {  	_ =	task [dreg:s22], $0x5FFFF  }
0xbb: {  	[dreg:$0x1] =	wrdreg $0xFFFFFFFF  }
0xbc: {  	[dreg:$0x0] =	wrdreg $0x60  }
0xbd: {  	[dreg:$0x2] =	wrdreg s24  }
0xbe: {  	[dreg:$0x3] =	wrdreg s18  }
0xbf: {  	[dreg:$0x4] =	wrdreg $0x9  }
0xc0: {  	_ =	task.clear_ibuf [dreg:s22], $0x5FFFF;
	_ =	strace $0x9000004F  }
0xc1: {  	s29 =	simm.s32 $0x9;
	_ =	strace $0x80000051  }
0xc2: {  	_ =	swait.ge [sflag:s29], $0x1  }
0xc3: {  	[sflag:s29] =	ssyncadd.s32 $0xFFFFFFFF  }
0xc4: {  	_ =	strace $0x90000051  }
0xc5: {  	_ =	sfence  }
0xc6: {  	s30 =	sld [smem:$0x0];
	_ =	sdelay $0x2  }
0xc7: {  	s31 =	sshll.u32 s1, $0xD;
	s1 =	sshrl.u32 s1, $0x2  }
0xc8: {  	s4 =	sand.u32 $0x4000, s31;
	s1 =	sadd.s32 s1, s30  }
0xc9: {  	s0 =	sor.u32 s4, s0;
	s1 =	sshll.u32 s1, $0x11  }
0xca: {  	s0 =	sor.u32 s1, s0  }
0xcb: {  	s0 =	sadd.s32 $0x8F2B, s0  }
0xcc: {  	[sflag:s0] =	ssyncadd.remote.s32 $0x1  }
0xcd: {  	_ =	sfence.sel $0xFFFF  }
0xce: {  	[dreg:$0x0] =	wrdreg $0xFFFFFFFF;
	(pc) =	sbr.abs _section_cstart, $3  }
0xcf: {  	[dreg:$0x1] =	wrdreg $0xFFFFFFFF  }
0xd0: {  	_ =	task.clear_ibuf [dreg:s22], $0x2FFFF;
	_ =	strace $0x9FFFFFFF  }
0xd1: {  	(tm) =	ssettm $0x7FFFFFFF  }
tec
execute0_lowered:
.L_overlay_start_1:
0x0: {  	(tag) =	ssettag $0x1  }
0x1: {  	s4 =	rddreg [dreg:$0x0]  }
0x2: {  	s5 =	rddreg [dreg:$0x1]  }
0x3: {  	s0 =	rddreg [dreg:$0x2]  }
0x4: {  	s2 =	simm.s32 $0x0;
	s3 =	srdreg.scid;
	s1 =	stileid.u32  }
0x5: {  	s10 =	simm.s32 $0x1080;
	s11 =	simm.s32 $0x1880;
	s12 =	simm.s32 $0x2080  }
0x6: {  	s13 =	simm.s32 $0x2880;
	s14 =	simm.s32 $0x3080;
	s15 =	simm.s32 $0x3880  }
0x7: {  	s16 =	simm.s32 $0x4080;
	s17 =	simm.s32 $0x4880;
	s18 =	simm.s32 $0x5080  }
0x8: {  	s19 =	simm.s32 $0x5880;
	s20 =	simm.s32 $0x6080;
	s21 =	simm.s32 $0x6880  }
0x9: {  	s22 =	simm.s32 $0x7080;
	s23 =	simm.s32 $0x7880;
	s24 =	simm.s32 $0x1  }
0xa: {  	[smem:$0x7FF] =	sst s2;
	s3 =	sand.u32 $0x1, s3;
	s6 =	sshll.u32 s1, $0x1  }
0xb: {  	_ =	strace $0x80000050;
	s6 =	sor.u32 s3, s6;
	s7 =	ssub.s32 $0x2, s3  }
0xc: {  	s3 =	sadd.s32 $0x52000, s4;
	s8 =	sshll.u32 s6, $0x4;
	s9 =	sshrl.u32 s7, $0x1  }
0xd: {  	v2 =	vlaneseq.u32;
	s6 =	sshll.u32 s6, $0xC;
	s4 =	sadd.s32 s8, s4;
	s7 =	ssub.s32 s7, s9  }
0xe: {  	vm0 =	vmmov $0xffff;
	v1 =	vshrl.u32 v2, $0x3;
	s5 =	sadd.s32 s5, s6;
	s8 =	simm.s32 $0x80;
	s9 =	simm.s32 $0x880  }
0xf: {  	v0 =	vand.u32 $0x7, v2;
	v2 =	vor.u32 $0x8, v2;
	v1 =	vmul.u32 $0x8, v1;
	s4 =	sadd.s32 $0x112200, s4;
	s6 =	smax.u32 s7, $0x1;
	s7 =	simm.s32 $0x2  }
.LBB2_1:
0x10: {  	[tilespmem:s2], [sflag:$0x2] =	stream.linear.gather [hbm4b:s4+s2], $0x80, $0x38;
	[tilespmem:$0x8080] =	vst v63  }
0x11: {  	_ =	swait.ge [sflag:s7], $0x80  }
0x12: {  	[sflag:s7] =	ssyncset.done $0x0  }
0x13: {  	[sflag:s7] =	ssyncadd.s32 $0xFFFFFF80  }
0x14: {  	v3 =	vld [tilespmem:$0x0];
	_ =	sdelay $0x4  }
0x15: {  	v4 =	vshll.u32 v3, $0x1  }
0x16: {  	v3 =	vand.u32 $0x7, v3;
	v4 =	vand.u32 $0xFFFFFFF0, v4  }
0x17: {  	v3 =	vor.u32 v3, v4  }
0x18: {  	v4 =	vperm.xlane v3, v0;
	_ =	sdelay $0x1  }
0x19: {  	v3 =	vperm.xlane v3, v2;
	v4 =	vadd.s32 v1, v4;
	_ =	sdelay $0x1  }
0x1a: {  	v3 =	vadd.s32 v1, v3;
	_ =	sdelay $0x2  }
0x1b: {  	[tilespmem:s8], [sflag:$0x1] =	stream.indirect_vreg.gather [hbm4b:s3+s2], $0x80, v4, vm0, $0xb8;
	[tilespmem:$0x8080] =	vst v63  }
0x1c: {  	_ = 	snop  }
0x1d: {  	[tilespmem:s9], [sflag:$0x1] =	stream.indirect_vreg.gather [hbm4b:s3+s2], $0x80, v3, vm0, $0xb8;
	[tilespmem:$0x8080] =	vst v63  }
0x1e: {  	v3 =	vld [tilespmem:$0x10];
	_ =	sdelay $0x4  }
0x1f: {  	v57 =	vshll.u32 v3, $0x1  }
0x20: {  	v3 =	vand.u32 $0x7, v3;
	v4 =	vand.u32 $0xFFFFFFF0, v57  }
0x21: {  	v3 =	vor.u32 v3, v4  }
0x22: {  	v4 =	vperm.xlane v3, v0;
	_ =	sdelay $0x1  }
0x23: {  	v3 =	vperm.xlane v3, v2;
	v4 =	vadd.s32 v1, v4;
	_ =	sdelay $0x1  }
0x24: {  	v3 =	vadd.s32 v1, v3;
	_ =	sdelay $0x2  }
0x25: {  	[tilespmem:s10], [sflag:$0x1] =	stream.indirect_vreg.gather [hbm4b:s3+s2], $0x80, v4, vm0, $0xb8;
	[tilespmem:$0x8080] =	vst v63  }
0x26: {  	_ = 	snop  }
0x27: {  	[tilespmem:s11], [sflag:$0x1] =	stream.indirect_vreg.gather [hbm4b:s3+s2], $0x80, v3, vm0, $0xb8;
	[tilespmem:$0x8080] =	vst v63  }
0x28: {  	v3 =	vld [tilespmem:$0x20];
	_ =	sdelay $0x4  }
0x29: {  	v58 =	vshll.u32 v3, $0x1  }
0x2a: {  	v3 =	vand.u32 $0x7, v3;
	v4 =	vand.u32 $0xFFFFFFF0, v58  }
0x2b: {  	v3 =	vor.u32 v3, v4  }
0x2c: {  	v4 =	vperm.xlane v3, v0;
	_ =	sdelay $0x1  }
0x2d: {  	v3 =	vperm.xlane v3, v2;
	v4 =	vadd.s32 v1, v4;
	_ =	sdelay $0x1  }
0x2e: {  	v3 =	vadd.s32 v1, v3;
	_ =	sdelay $0x2  }
0x2f: {  	[tilespmem:s12], [sflag:$0x1] =	stream.indirect_vreg.gather [hbm4b:s3+s2], $0x80, v4, vm0, $0xb8;
	[tilespmem:$0x8080] =	vst v63  }
0x30: {  	_ = 	snop  }
0x31: {  	[tilespmem:s13], [sflag:$0x1] =	stream.indirect_vreg.gather [hbm4b:s3+s2], $0x80, v3, vm0, $0xb8;
	[tilespmem:$0x8080] =	vst v63  }
0x32: {  	v3 =	vld [tilespmem:$0x30];
	_ =	sdelay $0x4  }
0x33: {  	v59 =	vshll.u32 v3, $0x1  }
0x34: {  	v3 =	vand.u32 $0x7, v3;
	v4 =	vand.u32 $0xFFFFFFF0, v59  }
0x35: {  	v3 =	vor.u32 v3, v4  }
0x36: {  	v4 =	vperm.xlane v3, v0;
	_ =	sdelay $0x1  }
0x37: {  	v3 =	vperm.xlane v3, v2;
	v4 =	vadd.s32 v1, v4;
	_ =	sdelay $0x1  }
0x38: {  	v3 =	vadd.s32 v1, v3;
	_ =	sdelay $0x2  }
0x39: {  	[tilespmem:s14], [sflag:$0x1] =	stream.indirect_vreg.gather [hbm4b:s3+s2], $0x80, v4, vm0, $0xb8;
	[tilespmem:$0x8080] =	vst v63  }
0x3a: {  	_ = 	snop  }
0x3b: {  	[tilespmem:s15], [sflag:$0x1] =	stream.indirect_vreg.gather [hbm4b:s3+s2], $0x80, v3, vm0, $0xb8;
	[tilespmem:$0x8080] =	vst v63  }
0x3c: {  	v3 =	vld [tilespmem:$0x40];
	_ =	sdelay $0x4  }
0x3d: {  	v60 =	vshll.u32 v3, $0x1  }
0x3e: {  	v3 =	vand.u32 $0x7, v3;
	v4 =	vand.u32 $0xFFFFFFF0, v60  }
0x3f: {  	v3 =	vor.u32 v3, v4  }
0x40: {  	v4 =	vperm.xlane v3, v0;
	_ =	sdelay $0x1  }
0x41: {  	v3 =	vperm.xlane v3, v2;
	v4 =	vadd.s32 v1, v4;
	_ =	sdelay $0x1  }
0x42: {  	v3 =	vadd.s32 v1, v3;
	_ =	sdelay $0x2  }
0x43: {  	[tilespmem:s16], [sflag:$0x1] =	stream.indirect_vreg.gather [hbm4b:s3+s2], $0x80, v4, vm0, $0xb8;
	[tilespmem:$0x8080] =	vst v63  }
0x44: {  	_ = 	snop  }
0x45: {  	[tilespmem:s17], [sflag:$0x1] =	stream.indirect_vreg.gather [hbm4b:s3+s2], $0x80, v3, vm0, $0xb8;
	[tilespmem:$0x8080] =	vst v63  }
0x46: {  	v3 =	vld [tilespmem:$0x50];
	_ =	sdelay $0x4  }
0x47: {  	v61 =	vshll.u32 v3, $0x1  }
0x48: {  	v3 =	vand.u32 $0x7, v3;
	v4 =	vand.u32 $0xFFFFFFF0, v61  }
0x49: {  	v3 =	vor.u32 v3, v4  }
0x4a: {  	v4 =	vperm.xlane v3, v0;
	_ =	sdelay $0x1  }
0x4b: {  	v3 =	vperm.xlane v3, v2;
	v4 =	vadd.s32 v1, v4;
	_ =	sdelay $0x1  }
0x4c: {  	v3 =	vadd.s32 v1, v3;
	_ =	sdelay $0x2  }
0x4d: {  	[tilespmem:s18], [sflag:$0x1] =	stream.indirect_vreg.gather [hbm4b:s3+s2], $0x80, v4, vm0, $0xb8;
	[tilespmem:$0x8080] =	vst v63  }
0x4e: {  	_ = 	snop  }
0x4f: {  	[tilespmem:s19], [sflag:$0x1] =	stream.indirect_vreg.gather [hbm4b:s3+s2], $0x80, v3, vm0, $0xb8;
	[tilespmem:$0x8080] =	vst v63  }
0x50: {  	v3 =	vld [tilespmem:$0x60];
	_ =	sdelay $0x4  }
0x51: {  	v62 =	vshll.u32 v3, $0x1  }
0x52: {  	v3 =	vand.u32 $0x7, v3;
	v4 =	vand.u32 $0xFFFFFFF0, v62  }
0x53: {  	v3 =	vor.u32 v3, v4  }
0x54: {  	v4 =	vperm.xlane v3, v0;
	_ =	sdelay $0x1  }
0x55: {  	v3 =	vperm.xlane v3, v2;
	v4 =	vadd.s32 v1, v4;
	_ =	sdelay $0x1  }
0x56: {  	v3 =	vadd.s32 v1, v3;
	_ =	sdelay $0x2  }
0x57: {  	[tilespmem:s20], [sflag:$0x1] =	stream.indirect_vreg.gather [hbm4b:s3+s2], $0x80, v4, vm0, $0xb8;
	[tilespmem:$0x8080] =	vst v63  }
0x58: {  	_ = 	snop  }
0x59: {  	[tilespmem:s21], [sflag:$0x1] =	stream.indirect_vreg.gather [hbm4b:s3+s2], $0x80, v3, vm0, $0xb8;
	[tilespmem:$0x8080] =	vst v63  }
0x5a: {  	v3 =	vld [tilespmem:$0x70];
	_ =	sdelay $0x4  }
0x5b: {  	v63 =	vshll.u32 v3, $0x1  }
0x5c: {  	v3 =	vand.u32 $0x7, v3;
	v4 =	vand.u32 $0xFFFFFFF0, v63  }
0x5d: {  	v3 =	vor.u32 v3, v4  }
0x5e: {  	v4 =	vperm.xlane v3, v0;
	_ =	sdelay $0x1  }
0x5f: {  	v3 =	vperm.xlane v3, v2;
	v4 =	vadd.s32 v1, v4;
	_ =	sdelay $0x1  }
0x60: {  	v3 =	vadd.s32 v1, v3;
	_ =	sdelay $0x2  }
0x61: {  	[tilespmem:s22], [sflag:$0x1] =	stream.indirect_vreg.gather [hbm4b:s3+s2], $0x80, v4, vm0, $0xb8;
	[tilespmem:$0x8080] =	vst v63  }
0x62: {  	_ = 	snop  }
0x63: {  	[tilespmem:s23], [sflag:$0x1] =	stream.indirect_vreg.gather [hbm4b:s3+s2], $0x80, v3, vm0, $0xb8;
	[tilespmem:$0x8080] =	vst v63  }
0x64: {  	_ =	swait.ge [sflag:s24], $0x8000  }
0x65: {  	p0 =	sne.s32 s6, $0x1;
	[sflag:s24] =	ssyncset.done $0x0  }
.Ltmp0:
0x66: {  	[sflag:s24] =	ssyncadd.s32 $0xFFFF8000;
	(pc) =	sbr.rel @p0 .LBB2_1-.Ltmp0, $4  }
0x67: {  	[hbm4b:s5+s2] =	stream.linear.scatter [tilespmem:s8], [sflag:$0x2], $0x8000, $0x38;
	[tilespmem:$0x8080] =	vst v63  }
0x68: {  	_ =	swait.ge [sflag:s7], $0x8000  }
0x69: {  	[sflag:s7] =	ssyncset.done $0x0  }
0x6a: {  	s6 =	sadd.s32 $0xFFFFFFFF, s6;
	[sflag:s7] =	ssyncadd.s32 $0xFFFF8000  }
0x6b: {  	_ =	sfence.sel $0x180000  }
0x6c: {  	[bflag:$0x0] =	sbarrier.arrive $0xFFFF  }
0x6d: {  	p0 =	sne.s32 s1, $0x0;
	_ =	strace $0x90000050  }
0x6e: {  	s0 =	sadd.s32 @!p0 $0x100000, s0;
	[bflag:$0x2] =	sbarrier.arrive $0xFFFF  }
0x6f: {  	[sflag:s0] =	ssyncadd.tile.s32 @!p0 $0x1;
	_ =	shalt  }
.Lfunc_end2:
_tile_overlayer_lowered:
.L_overlay_start_2:
0x70: {  	(tag) =	ssettag $0x2  }
0x71: {  	s0 =	rddreg [dreg:$0x0];
	s2 =	stileid.u32  }
0x72: {  	s1 =	rddreg [dreg:$0x1];
	p0 =	sne.s32 s2, $0x0  }
0x73: {  	s3 =	rddreg [dreg:$0x2];
	[bflag:$0x3] =	sbarrier.arrive $0xFFFF;
	s2 =	simm.s32 @!p0 $0x1C02  }
0x74: {  	[timem:s3], [sflag:s2] =	dma.local @!p0 [hbm:s0], s1  }
0x75: {  	s0 =	simm.s32 @!p0 $0x2  }
0x76: {  	_ =	swait.ge @!p0 [sflag:s0], s1  }
0x77: {  	s1 =	ssub.s32 @!p0 $0x0, s1;
	[sflag:s0] =	ssyncset.done @!p0 $0x0  }
0x78: {  	[sflag:s0] =	ssyncadd.s32 @!p0 s1  }
0x79: {  	[bflag:$0x3] =	sbarrier.arrive $0xFFFF  }
0x7a: {  	_ =	shalt  }

</sc_bundles>
